<compile_context>
chip_gen: v7x
topology: tpu7x:2x2x1
jax: 0.10.2.dev20260603
libtpu: 0.0.44.dev20260713+nightly
codegen_flags: <defaults>
</compile_context>

<pallas_src>
import functools

import jax
import jax.numpy as jnp
from jax import lax
from jax.experimental import pallas as pl
from jax.experimental.pallas import tpu as pltpu
from jax.experimental.pallas import tpu_sc as plsc

N_BINS = 15
N_ROWS = 500000
N_CLASSES = 100

BLOCK_ROWS = 4096
GRID = -(-N_ROWS // BLOCK_ROWS)
GRID_A = 102
GRID_B = GRID - GRID_A
NPAD_A = GRID_A * BLOCK_ROWS
NPAD_B = GRID_B * BLOCK_ROWS

N_TILES = 16


def _rowstats_body(logits_t_ref, labels_ref, conf_ref, acc_ref):
    x = logits_t_ref[...]
    m = jnp.max(x, axis=0, keepdims=True)
    s = jnp.sum(jnp.exp(x - m), axis=0)
    conf_ref[...] = 1.0 / s
    row = lax.broadcasted_iota(jnp.int32, x.shape, 0)
    pred = jnp.min(jnp.where(x == m, row, N_CLASSES), axis=0)
    acc_ref[...] = (pred == labels_ref[...]).astype(jnp.float32)


def _make_rowstats(grid, block_off, npad):
    return pl.pallas_call(
        _rowstats_body,
        grid=(grid,),
        in_specs=[
            pl.BlockSpec((N_CLASSES, BLOCK_ROWS), lambda i: (0, i + block_off)),
            pl.BlockSpec((BLOCK_ROWS,), lambda i: (i + block_off,)),
        ],
        out_specs=[
            pl.BlockSpec((BLOCK_ROWS,), lambda i: (i,)),
            pl.BlockSpec((BLOCK_ROWS,), lambda i: (i,)),
        ],
        out_shape=[
            jax.ShapeDtypeStruct((npad,), jnp.float32),
            jax.ShapeDtypeStruct((npad,), jnp.float32),
        ],
        compiler_params=pltpu.CompilerParams(
            dimension_semantics=("arbitrary",),
        ),
    )


_rowstats_a = _make_rowstats(GRID_A, 0, NPAD_A)
_rowstats_b = _make_rowstats(GRID_B, GRID_A, NPAD_B)


def _sc_hist_body(npad, row_base, final, *refs):
    if final:
        (conf_hbm, acc_hbm, prev_hbm, out_hbm, conf_v, acc_v, acc3_a,
         part_v, shared, allpart_v, prev_v, out_v) = refs
    else:
        (conf_hbm, acc_hbm, out_hbm, conf_v, acc_v, acc3_a,
         part_v, shared, allpart_v, out_v) = refs
    chunk = npad // N_TILES
    max_nvec = chunk // 16
    wid = lax.axis_index("s")
    base = wid * chunk
    pltpu.sync_copy(conf_hbm.at[pl.ds(base, chunk)], conf_v)
    pltpu.sync_copy(acc_hbm.at[pl.ds(base, chunk)], acc_v)

    zeros16 = jnp.zeros((16,), jnp.float32)
    for r in range(48):
        acc3_a[pl.ds(r * 16, 16)] = zeros16

    lane16 = lax.iota(jnp.int32, 16) * 16
    lane = lax.iota(jnp.int32, 16)
    ones16 = jnp.ones((16,), jnp.float32)
    nvec = jnp.clip((N_ROWS - row_base - base) // 16, 0, max_nvec)

    @plsc.parallel_loop(0, nvec, 1, unroll=4)
    def _(i):
        off = i * 16
        cv = conf_v[pl.ds(off, 16)]
        av = acc_v[pl.ds(off, 16)]
        b = jnp.minimum((cv * float(N_BINS)).astype(jnp.int32), N_BINS - 1)
        idx = lane16 + b
        plsc.addupdate_scatter(acc3_a, [idx], ones16)
        plsc.addupdate_scatter(acc3_a, [idx + 256], cv)
        plsc.addupdate_scatter(acc3_a, [idx + 512], av)

    for j in range(3):
        v = acc3_a[pl.ds(j * 256, 16)]
        for r in range(1, 16):
            v = v + acc3_a[pl.ds(j * 256 + r * 16, 16)]
        part_v[pl.ds(j * 16, 16)] = v
    part_v[pl.ds(48, 16)] = zeros16
    pltpu.sync_copy(part_v, shared.at[pl.ds(wid * 64, 64)])
    plsc.subcore_barrier()

    @pl.when(wid == 0)
    def _():
        pltpu.sync_copy(shared, allpart_v)
        if final:
            pltpu.sync_copy(prev_hbm, prev_v)
        res = []
        for j in range(3):
            v = allpart_v[pl.ds(j * 16, 16)]
            for w in range(1, N_TILES):
                v = v + allpart_v[pl.ds(w * 64 + j * 16, 16)]
            if final:
                v = v + prev_v[pl.ds(j * 16, 16)]
            res.append(v)
        cnt, sconf, sacc = res
        if final:
            safe = jnp.maximum(cnt, 1.0)
            gap = jnp.abs(sconf / safe - sacc / safe) * (cnt * (1.0 / N_ROWS))
            gap = jnp.where(cnt > 0.0, gap, 0.0)
            ece = jnp.sum(gap)
            out_v[...] = jnp.where(lane == 0, ece, 0.0)
            pltpu.sync_copy(out_v, out_hbm)
        else:
            out_v[pl.ds(0, 16)] = cnt
            out_v[pl.ds(16, 16)] = sconf
            out_v[pl.ds(32, 16)] = sacc
            out_v[pl.ds(48, 16)] = zeros16
            pltpu.sync_copy(out_v, out_hbm)


@functools.cache
def _make_sc_hist(npad, row_base, final):
    mesh = plsc.VectorSubcoreMesh(
        core_axis_name="c", subcore_axis_name="s", num_cores=1, num_subcores=16
    )
    chunk = npad // N_TILES
    scratch = [
        pltpu.VMEM((chunk,), jnp.float32),
        pltpu.VMEM((chunk,), jnp.float32),
        pltpu.VMEM((768,), jnp.float32),
        pltpu.VMEM((64,), jnp.float32),
        pltpu.VMEM_SHARED((N_TILES * 64,), jnp.float32),
        pltpu.VMEM((N_TILES * 64,), jnp.float32),
    ]
    if final:
        scratch.append(pltpu.VMEM((64,), jnp.float32))
        scratch.append(pltpu.VMEM((16,), jnp.float32))
        out_type = jax.ShapeDtypeStruct((16,), jnp.float32)
    else:
        scratch.append(pltpu.VMEM((64,), jnp.float32))
        out_type = jax.ShapeDtypeStruct((64,), jnp.float32)
    return pl.kernel(
        functools.partial(_sc_hist_body, npad, row_base, final),
        out_type=out_type,
        mesh=mesh,
        compiler_params=pltpu.CompilerParams(needs_layout_passes=False),
        scratch_types=scratch,
    )


def kernel(logits, labels):
    lt = logits.T
    conf_a, acc_a = _rowstats_a(lt, labels)
    conf_b, acc_b = _rowstats_b(lt, labels)
    part_a = _make_sc_hist(NPAD_A, 0, False)(conf_a, acc_a)
    ece16 = _make_sc_hist(NPAD_B, NPAD_A, True)(conf_b, acc_b, part_a)
    return ece16[0:1]

# --- scband reference (transcript-rebuilt; emitter-appended) ---
"""Pipeline reference for scband-eceloss-30734785970356 (READ-ONLY COPY).

The authoritative reference and input builder live on the scoring server;
editing this copy changes nothing except your own understanding.
"""

import jax, jax.numpy as jnp
import numpy as np

N_BINS = 15


def setup_inputs(seed: int = 0) -> dict:
    key = jax.random.key(seed)
    k1, k2 = jax.random.split(key)
    logits = jax.random.normal(k1, (500000, 100), dtype=jnp.float32)
    labels = jax.random.randint(k2, (500000,), 0, 100, dtype=jnp.int32)
    return {"logits": logits, "labels": labels}


def reference(logits, labels):
    softmaxes = jax.nn.softmax(logits, axis=-1)
    confidences = jnp.max(softmaxes, axis=-1)
    predictions = jnp.argmax(softmaxes, axis=-1)
    accuracies = (predictions == labels)
    bin_boundaries = np.linspace(0.0, 1.0, N_BINS + 1)
    n = confidences.shape[0]
    ece = jnp.zeros((1,), dtype=jnp.float32)
    for i in range(N_BINS):
        bin_lower = float(bin_boundaries[i])
        bin_upper = float(bin_boundaries[i + 1])
        in_bin = (confidences > bin_lower) & (confidences <= bin_upper)
        in_bin_f = in_bin.astype(jnp.float32)
        cnt = jnp.sum(in_bin_f)
        prop_in_bin = cnt / n
        safe_cnt = jnp.maximum(cnt, 1.0)
        accuracy_in_bin = jnp.sum(accuracies.astype(jnp.float32) * in_bin_f) / safe_cnt
        avg_confidence_in_bin = jnp.sum(confidences * in_bin_f) / safe_cnt
        gap = jnp.abs(avg_confidence_in_bin - accuracy_in_bin) * prop_in_bin
        ece = ece + jnp.where(cnt > 0, gap, 0.0)
    return ece

if __name__ == "__main__":
    import jax
    _d = setup_inputs()
    print(jax.jit(kernel)(*tuple(_d.values())))

</pallas_src>

<mosaic_0001>
#map = affine_map<(d0, d1) -> (0)>
module attributes {stable_mosaic.version = 14 : i64} {
  func.func @_sc_hist_body(%arg0: i32, %arg1: i32, %arg2: memref<417792xf32, #tpu.memory_space<hbm>>, %arg3: memref<417792xf32, #tpu.memory_space<hbm>>, %arg4: memref<64xf32, #tpu.memory_space<hbm>>, %arg5: memref<26112xf32, #tpu.memory_space<vmem>>, %arg6: memref<26112xf32, #tpu.memory_space<vmem>>, %arg7: memref<768xf32, #tpu.memory_space<vmem>>, %arg8: memref<64xf32, #tpu.memory_space<vmem>>, %arg9: memref<1024xf32, #tpu.memory_space<vmem_shared>>, %arg10: memref<1024xf32, #tpu.memory_space<vmem>>, %arg11: memref<64xf32, #tpu.memory_space<vmem>>) attributes {dimension_semantics = [#tpu.dimension_semantics<core_parallel>, #tpu.dimension_semantics<subcore_parallel>], iteration_bounds = array<i64: 1, 16>, scalar_prefetch = 0 : i64, scratch_operands = 7 : i64, tpu.core_type = #tpu.core_type<sc_vector_subcore>, window_params = [{transform_indices = #map}, {transform_indices = #map}, {transform_indices = #map}]} {
    %mul3A = arith.constant 26112 : i32
    %mul3A_0 = arith.muli %arg1, %mul3A : i32
    "tpu.region"() ({
      %run_scoped3A = tpu.sem_alloc : memref<!tpu.dma_semaphore, #tpu.memory_space<semaphore_mem>>
      %dma_start3A = tpu.memref_slice %arg2[%mul3A_0] : memref<417792xf32, #tpu.memory_space<hbm>> -> memref<26112xf32, #tpu.memory_space<hbm>>
      %dma_start3A_275 = tpu.memref_slice %arg2[%mul3A_0] : memref<417792xf32, #tpu.memory_space<hbm>> -> memref<26112xf32, #tpu.memory_space<hbm>>
      tpu.enqueue_dma source(%dma_start3A_275 : memref<26112xf32, #tpu.memory_space<hbm>>) target(%arg5 : memref<26112xf32, #tpu.memory_space<vmem>>) target_semaphore(%run_scoped3A : memref<!tpu.dma_semaphore, #tpu.memory_space<semaphore_mem>>)
      %dma_wait3A = tpu.memref_slice %arg2[%mul3A_0] : memref<417792xf32, #tpu.memory_space<hbm>> -> memref<26112xf32, #tpu.memory_space<hbm>>
      %dma_wait3A_276 = tpu.memref_slice %arg2[%mul3A_0] : memref<417792xf32, #tpu.memory_space<hbm>> -> memref<26112xf32, #tpu.memory_space<hbm>>
      tpu.wait_dma2 semaphore(%run_scoped3A : memref<!tpu.dma_semaphore, #tpu.memory_space<semaphore_mem>>) src(%dma_wait3A_276 : memref<26112xf32, #tpu.memory_space<hbm>>) dst(%arg5 : memref<26112xf32, #tpu.memory_space<vmem>>)
      tpu.yield
    }) : () -> ()
    "tpu.region"() ({
      %run_scoped3A = tpu.sem_alloc : memref<!tpu.dma_semaphore, #tpu.memory_space<semaphore_mem>>
      %dma_start3A = tpu.memref_slice %arg3[%mul3A_0] : memref<417792xf32, #tpu.memory_space<hbm>> -> memref<26112xf32, #tpu.memory_space<hbm>>
      %dma_start3A_275 = tpu.memref_slice %arg3[%mul3A_0] : memref<417792xf32, #tpu.memory_space<hbm>> -> memref<26112xf32, #tpu.memory_space<hbm>>
      tpu.enqueue_dma source(%dma_start3A_275 : memref<26112xf32, #tpu.memory_space<hbm>>) target(%arg6 : memref<26112xf32, #tpu.memory_space<vmem>>) target_semaphore(%run_scoped3A : memref<!tpu.dma_semaphore, #tpu.memory_space<semaphore_mem>>)
      %dma_wait3A = tpu.memref_slice %arg3[%mul3A_0] : memref<417792xf32, #tpu.memory_space<hbm>> -> memref<26112xf32, #tpu.memory_space<hbm>>
      %dma_wait3A_276 = tpu.memref_slice %arg3[%mul3A_0] : memref<417792xf32, #tpu.memory_space<hbm>> -> memref<26112xf32, #tpu.memory_space<hbm>>
      tpu.wait_dma2 semaphore(%run_scoped3A : memref<!tpu.dma_semaphore, #tpu.memory_space<semaphore_mem>>) src(%dma_wait3A_276 : memref<26112xf32, #tpu.memory_space<hbm>>) dst(%arg6 : memref<26112xf32, #tpu.memory_space<vmem>>)
      tpu.yield
    }) : () -> ()
    %broadcast_in_dim3A = arith.constant 0.000000e+00 : f32
    %broadcast_in_dim3A_1 = vector.broadcast %broadcast_in_dim3A : f32 to vector<16xf32>
    %swap3A = arith.constant 0 : index
    %swap3A_2 = tpu.vector_load %arg7[%swap3A] {strides = array<i32>} : memref<768xf32, #tpu.memory_space<vmem>>, vector<16xf32>,
    tpu.vector_store %arg7[%swap3A], %broadcast_in_dim3A_1 {strides = array<i32>} : memref<768xf32, #tpu.memory_space<vmem>>, vector<16xf32>,
    %swap3A_3 = arith.constant 16 : index
    %swap3A_4 = tpu.vector_load %arg7[%swap3A_3] {strides = array<i32>} : memref<768xf32, #tpu.memory_space<vmem>>, vector<16xf32>,
    tpu.vector_store %arg7[%swap3A_3], %broadcast_in_dim3A_1 {strides = array<i32>} : memref<768xf32, #tpu.memory_space<vmem>>, vector<16xf32>,
    %swap3A_5 = arith.constant 32 : index
    %swap3A_6 = tpu.vector_load %arg7[%swap3A_5] {strides = array<i32>} : memref<768xf32, #tpu.memory_space<vmem>>, vector<16xf32>,
    tpu.vector_store %arg7[%swap3A_5], %broadcast_in_dim3A_1 {strides = array<i32>} : memref<768xf32, #tpu.memory_space<vmem>>, vector<16xf32>,
    %swap3A_7 = arith.constant 48 : index
    %swap3A_8 = tpu.vector_load %arg7[%swap3A_7] {strides = array<i32>} : memref<768xf32, #tpu.memory_space<vmem>>, vector<16xf32>,
    tpu.vector_store %arg7[%swap3A_7], %broadcast_in_dim3A_1 {strides = array<i32>} : memref<768xf32, #tpu.memory_space<vmem>>, vector<16xf32>,
    %swap3A_9 = arith.constant 64 : index
    %swap3A_10 = tpu.vector_load %arg7[%swap3A_9] {strides = array<i32>} : memref<768xf32, #tpu.memory_space<vmem>>, vector<16xf32>,
    tpu.vector_store %arg7[%swap3A_9], %broadcast_in_dim3A_1 {strides = array<i32>} : memref<768xf32, #tpu.memory_space<vmem>>, vector<16xf32>,
    %swap3A_11 = arith.constant 80 : index
    %swap3A_12 = tpu.vector_load %arg7[%swap3A_11] {strides = array<i32>} : memref<768xf32, #tpu.memory_space<vmem>>, vector<16xf32>,
    tpu.vector_store %arg7[%swap3A_11], %broadcast_in_dim3A_1 {strides = array<i32>} : memref<768xf32, #tpu.memory_space<vmem>>, vector<16xf32>,
    %swap3A_13 = arith.constant 96 : index
    %swap3A_14 = tpu.vector_load %arg7[%swap3A_13] {strides = array<i32>} : memref<768xf32, #tpu.memory_space<vmem>>, vector<16xf32>,
    tpu.vector_store %arg7[%swap3A_13], %broadcast_in_dim3A_1 {strides = array<i32>} : memref<768xf32, #tpu.memory_space<vmem>>, vector<16xf32>,
    %swap3A_15 = arith.constant 112 : index
    %swap3A_16 = tpu.vector_load %arg7[%swap3A_15] {strides = array<i32>} : memref<768xf32, #tpu.memory_space<vmem>>, vector<16xf32>,
    tpu.vector_store %arg7[%swap3A_15], %broadcast_in_dim3A_1 {strides = array<i32>} : memref<768xf32, #tpu.memory_space<vmem>>, vector<16xf32>,
    %swap3A_17 = arith.constant 128 : index
    %swap3A_18 = tpu.vector_load %arg7[%swap3A_17] {strides = array<i32>} : memref<768xf32, #tpu.memory_space<vmem>>, vector<16xf32>,
    tpu.vector_store %arg7[%swap3A_17], %broadcast_in_dim3A_1 {strides = array<i32>} : memref<768xf32, #tpu.memory_space<vmem>>, vector<16xf32>,
    %swap3A_19 = arith.constant 144 : index
    %swap3A_20 = tpu.vector_load %arg7[%swap3A_19] {strides = array<i32>} : memref<768xf32, #tpu.memory_space<vmem>>, vector<16xf32>,
    tpu.vector_store %arg7[%swap3A_19], %broadcast_in_dim3A_1 {strides = array<i32>} : memref<768xf32, #tpu.memory_space<vmem>>, vector<16xf32>,
    %swap3A_21 = arith.constant 160 : index
    %swap3A_22 = tpu.vector_load %arg7[%swap3A_21] {strides = array<i32>} : memref<768xf32, #tpu.memory_space<vmem>>, vector<16xf32>,
    tpu.vector_store %arg7[%swap3A_21], %broadcast_in_dim3A_1 {strides = array<i32>} : memref<768xf32, #tpu.memory_space<vmem>>, vector<16xf32>,
    %swap3A_23 = arith.constant 176 : index
    %swap3A_24 = tpu.vector_load %arg7[%swap3A_23] {strides = array<i32>} : memref<768xf32, #tpu.memory_space<vmem>>, vector<16xf32>,
    tpu.vector_store %arg7[%swap3A_23], %broadcast_in_dim3A_1 {strides = array<i32>} : memref<768xf32, #tpu.memory_space<vmem>>, vector<16xf32>,
    %swap3A_25 = arith.constant 192 : index
    %swap3A_26 = tpu.vector_load %arg7[%swap3A_25] {strides = array<i32>} : memref<768xf32, #tpu.memory_space<vmem>>, vector<16xf32>,
    tpu.vector_store %arg7[%swap3A_25], %broadcast_in_dim3A_1 {strides = array<i32>} : memref<768xf32, #tpu.memory_space<vmem>>, vector<16xf32>,
    %swap3A_27 = arith.constant 208 : index
    %swap3A_28 = tpu.vector_load %arg7[%swap3A_27] {strides = array<i32>} : memref<768xf32, #tpu.memory_space<vmem>>, vector<16xf32>,
    tpu.vector_store %arg7[%swap3A_27], %broadcast_in_dim3A_1 {strides = array<i32>} : memref<768xf32, #tpu.memory_space<vmem>>, vector<16xf32>,
    %swap3A_29 = arith.constant 224 : index
    %swap3A_30 = tpu.vector_load %arg7[%swap3A_29] {strides = array<i32>} : memref<768xf32, #tpu.memory_space<vmem>>, vector<16xf32>,
    tpu.vector_store %arg7[%swap3A_29], %broadcast_in_dim3A_1 {strides = array<i32>} : memref<768xf32, #tpu.memory_space<vmem>>, vector<16xf32>,
    %swap3A_31 = arith.constant 240 : index
    %swap3A_32 = tpu.vector_load %arg7[%swap3A_31] {strides = array<i32>} : memref<768xf32, #tpu.memory_space<vmem>>, vector<16xf32>,
    tpu.vector_store %arg7[%swap3A_31], %broadcast_in_dim3A_1 {strides = array<i32>} : memref<768xf32, #tpu.memory_space<vmem>>, vector<16xf32>,
    %swap3A_33 = arith.constant 256 : index
    %swap3A_34 = tpu.vector_load %arg7[%swap3A_33] {strides = array<i32>} : memref<768xf32, #tpu.memory_space<vmem>>, vector<16xf32>,
    tpu.vector_store %arg7[%swap3A_33], %broadcast_in_dim3A_1 {strides = array<i32>} : memref<768xf32, #tpu.memory_space<vmem>>, vector<16xf32>,
    %swap3A_35 = arith.constant 272 : index
    %swap3A_36 = tpu.vector_load %arg7[%swap3A_35] {strides = array<i32>} : memref<768xf32, #tpu.memory_space<vmem>>, vector<16xf32>,
    tpu.vector_store %arg7[%swap3A_35], %broadcast_in_dim3A_1 {strides = array<i32>} : memref<768xf32, #tpu.memory_space<vmem>>, vector<16xf32>,
    %swap3A_37 = arith.constant 288 : index
    %swap3A_38 = tpu.vector_load %arg7[%swap3A_37] {strides = array<i32>} : memref<768xf32, #tpu.memory_space<vmem>>, vector<16xf32>,
    tpu.vector_store %arg7[%swap3A_37], %broadcast_in_dim3A_1 {strides = array<i32>} : memref<768xf32, #tpu.memory_space<vmem>>, vector<16xf32>,
    %swap3A_39 = arith.constant 304 : index
    %swap3A_40 = tpu.vector_load %arg7[%swap3A_39] {strides = array<i32>} : memref<768xf32, #tpu.memory_space<vmem>>, vector<16xf32>,
    tpu.vector_store %arg7[%swap3A_39], %broadcast_in_dim3A_1 {strides = array<i32>} : memref<768xf32, #tpu.memory_space<vmem>>, vector<16xf32>,
    %swap3A_41 = arith.constant 320 : index
    %swap3A_42 = tpu.vector_load %arg7[%swap3A_41] {strides = array<i32>} : memref<768xf32, #tpu.memory_space<vmem>>, vector<16xf32>,
    tpu.vector_store %arg7[%swap3A_41], %broadcast_in_dim3A_1 {strides = array<i32>} : memref<768xf32, #tpu.memory_space<vmem>>, vector<16xf32>,
    %swap3A_43 = arith.constant 336 : index
    %swap3A_44 = tpu.vector_load %arg7[%swap3A_43] {strides = array<i32>} : memref<768xf32, #tpu.memory_space<vmem>>, vector<16xf32>,
    tpu.vector_store %arg7[%swap3A_43], %broadcast_in_dim3A_1 {strides = array<i32>} : memref<768xf32, #tpu.memory_space<vmem>>, vector<16xf32>,
    %swap3A_45 = arith.constant 352 : index
    %swap3A_46 = tpu.vector_load %arg7[%swap3A_45] {strides = array<i32>} : memref<768xf32, #tpu.memory_space<vmem>>, vector<16xf32>,
    tpu.vector_store %arg7[%swap3A_45], %broadcast_in_dim3A_1 {strides = array<i32>} : memref<768xf32, #tpu.memory_space<vmem>>, vector<16xf32>,
    %swap3A_47 = arith.constant 368 : index
    %swap3A_48 = tpu.vector_load %arg7[%swap3A_47] {strides = array<i32>} : memref<768xf32, #tpu.memory_space<vmem>>, vector<16xf32>,
    tpu.vector_store %arg7[%swap3A_47], %broadcast_in_dim3A_1 {strides = array<i32>} : memref<768xf32, #tpu.memory_space<vmem>>, vector<16xf32>,
    %swap3A_49 = arith.constant 384 : index
    %swap3A_50 = tpu.vector_load %arg7[%swap3A_49] {strides = array<i32>} : memref<768xf32, #tpu.memory_space<vmem>>, vector<16xf32>,
    tpu.vector_store %arg7[%swap3A_49], %broadcast_in_dim3A_1 {strides = array<i32>} : memref<768xf32, #tpu.memory_space<vmem>>, vector<16xf32>,
    %swap3A_51 = arith.constant 400 : index
    %swap3A_52 = tpu.vector_load %arg7[%swap3A_51] {strides = array<i32>} : memref<768xf32, #tpu.memory_space<vmem>>, vector<16xf32>,
    tpu.vector_store %arg7[%swap3A_51], %broadcast_in_dim3A_1 {strides = array<i32>} : memref<768xf32, #tpu.memory_space<vmem>>, vector<16xf32>,
    %swap3A_53 = arith.constant 416 : index
    %swap3A_54 = tpu.vector_load %arg7[%swap3A_53] {strides = array<i32>} : memref<768xf32, #tpu.memory_space<vmem>>, vector<16xf32>,
    tpu.vector_store %arg7[%swap3A_53], %broadcast_in_dim3A_1 {strides = array<i32>} : memref<768xf32, #tpu.memory_space<vmem>>, vector<16xf32>,
    %swap3A_55 = arith.constant 432 : index
    %swap3A_56 = tpu.vector_load %arg7[%swap3A_55] {strides = array<i32>} : memref<768xf32, #tpu.memory_space<vmem>>, vector<16xf32>,
    tpu.vector_store %arg7[%swap3A_55], %broadcast_in_dim3A_1 {strides = array<i32>} : memref<768xf32, #tpu.memory_space<vmem>>, vector<16xf32>,
    %swap3A_57 = arith.constant 448 : index
    %swap3A_58 = tpu.vector_load %arg7[%swap3A_57] {strides = array<i32>} : memref<768xf32, #tpu.memory_space<vmem>>, vector<16xf32>,
    tpu.vector_store %arg7[%swap3A_57], %broadcast_in_dim3A_1 {strides = array<i32>} : memref<768xf32, #tpu.memory_space<vmem>>, vector<16xf32>,
    %swap3A_59 = arith.constant 464 : index
    %swap3A_60 = tpu.vector_load %arg7[%swap3A_59] {strides = array<i32>} : memref<768xf32, #tpu.memory_space<vmem>>, vector<16xf32>,
    tpu.vector_store %arg7[%swap3A_59], %broadcast_in_dim3A_1 {strides = array<i32>} : memref<768xf32, #tpu.memory_space<vmem>>, vector<16xf32>,
    %swap3A_61 = arith.constant 480 : index
    %swap3A_62 = tpu.vector_load %arg7[%swap3A_61] {strides = array<i32>} : memref<768xf32, #tpu.memory_space<vmem>>, vector<16xf32>,
    tpu.vector_store %arg7[%swap3A_61], %broadcast_in_dim3A_1 {strides = array<i32>} : memref<768xf32, #tpu.memory_space<vmem>>, vector<16xf32>,
    %swap3A_63 = arith.constant 496 : index
    %swap3A_64 = tpu.vector_load %arg7[%swap3A_63] {strides = array<i32>} : memref<768xf32, #tpu.memory_space<vmem>>, vector<16xf32>,
    tpu.vector_store %arg7[%swap3A_63], %broadcast_in_dim3A_1 {strides = array<i32>} : memref<768xf32, #tpu.memory_space<vmem>>, vector<16xf32>,
    %swap3A_65 = arith.constant 512 : index
    %swap3A_66 = tpu.vector_load %arg7[%swap3A_65] {strides = array<i32>} : memref<768xf32, #tpu.memory_space<vmem>>, vector<16xf32>,
    tpu.vector_store %arg7[%swap3A_65], %broadcast_in_dim3A_1 {strides = array<i32>} : memref<768xf32, #tpu.memory_space<vmem>>, vector<16xf32>,
    %swap3A_67 = arith.constant 528 : index
    %swap3A_68 = tpu.vector_load %arg7[%swap3A_67] {strides = array<i32>} : memref<768xf32, #tpu.memory_space<vmem>>, vector<16xf32>,
    tpu.vector_store %arg7[%swap3A_67], %broadcast_in_dim3A_1 {strides = array<i32>} : memref<768xf32, #tpu.memory_space<vmem>>, vector<16xf32>,
    %swap3A_69 = arith.constant 544 : index
    %swap3A_70 = tpu.vector_load %arg7[%swap3A_69] {strides = array<i32>} : memref<768xf32, #tpu.memory_space<vmem>>, vector<16xf32>,
    tpu.vector_store %arg7[%swap3A_69], %broadcast_in_dim3A_1 {strides = array<i32>} : memref<768xf32, #tpu.memory_space<vmem>>, vector<16xf32>,
    %swap3A_71 = arith.constant 560 : index
    %swap3A_72 = tpu.vector_load %arg7[%swap3A_71] {strides = array<i32>} : memref<768xf32, #tpu.memory_space<vmem>>, vector<16xf32>,
    tpu.vector_store %arg7[%swap3A_71], %broadcast_in_dim3A_1 {strides = array<i32>} : memref<768xf32, #tpu.memory_space<vmem>>, vector<16xf32>,
    %swap3A_73 = arith.constant 576 : index
    %swap3A_74 = tpu.vector_load %arg7[%swap3A_73] {strides = array<i32>} : memref<768xf32, #tpu.memory_space<vmem>>, vector<16xf32>,
    tpu.vector_store %arg7[%swap3A_73], %broadcast_in_dim3A_1 {strides = array<i32>} : memref<768xf32, #tpu.memory_space<vmem>>, vector<16xf32>,
    %swap3A_75 = arith.constant 592 : index
    %swap3A_76 = tpu.vector_load %arg7[%swap3A_75] {strides = array<i32>} : memref<768xf32, #tpu.memory_space<vmem>>, vector<16xf32>,
    tpu.vector_store %arg7[%swap3A_75], %broadcast_in_dim3A_1 {strides = array<i32>} : memref<768xf32, #tpu.memory_space<vmem>>, vector<16xf32>,
    %swap3A_77 = arith.constant 608 : index
    %swap3A_78 = tpu.vector_load %arg7[%swap3A_77] {strides = array<i32>} : memref<768xf32, #tpu.memory_space<vmem>>, vector<16xf32>,
    tpu.vector_store %arg7[%swap3A_77], %broadcast_in_dim3A_1 {strides = array<i32>} : memref<768xf32, #tpu.memory_space<vmem>>, vector<16xf32>,
    %swap3A_79 = arith.constant 624 : index
    %swap3A_80 = tpu.vector_load %arg7[%swap3A_79] {strides = array<i32>} : memref<768xf32, #tpu.memory_space<vmem>>, vector<16xf32>,
    tpu.vector_store %arg7[%swap3A_79], %broadcast_in_dim3A_1 {strides = array<i32>} : memref<768xf32, #tpu.memory_space<vmem>>, vector<16xf32>,
    %swap3A_81 = arith.constant 640 : index
    %swap3A_82 = tpu.vector_load %arg7[%swap3A_81] {strides = array<i32>} : memref<768xf32, #tpu.memory_space<vmem>>, vector<16xf32>,
    tpu.vector_store %arg7[%swap3A_81], %broadcast_in_dim3A_1 {strides = array<i32>} : memref<768xf32, #tpu.memory_space<vmem>>, vector<16xf32>,
    %swap3A_83 = arith.constant 656 : index
    %swap3A_84 = tpu.vector_load %arg7[%swap3A_83] {strides = array<i32>} : memref<768xf32, #tpu.memory_space<vmem>>, vector<16xf32>,
    tpu.vector_store %arg7[%swap3A_83], %broadcast_in_dim3A_1 {strides = array<i32>} : memref<768xf32, #tpu.memory_space<vmem>>, vector<16xf32>,
    %swap3A_85 = arith.constant 672 : index
    %swap3A_86 = tpu.vector_load %arg7[%swap3A_85] {strides = array<i32>} : memref<768xf32, #tpu.memory_space<vmem>>, vector<16xf32>,
    tpu.vector_store %arg7[%swap3A_85], %broadcast_in_dim3A_1 {strides = array<i32>} : memref<768xf32, #tpu.memory_space<vmem>>, vector<16xf32>,
    %swap3A_87 = arith.constant 688 : index
    %swap3A_88 = tpu.vector_load %arg7[%swap3A_87] {strides = array<i32>} : memref<768xf32, #tpu.memory_space<vmem>>, vector<16xf32>,
    tpu.vector_store %arg7[%swap3A_87], %broadcast_in_dim3A_1 {strides = array<i32>} : memref<768xf32, #tpu.memory_space<vmem>>, vector<16xf32>,
    %swap3A_89 = arith.constant 704 : index
    %swap3A_90 = tpu.vector_load %arg7[%swap3A_89] {strides = array<i32>} : memref<768xf32, #tpu.memory_space<vmem>>, vector<16xf32>,
    tpu.vector_store %arg7[%swap3A_89], %broadcast_in_dim3A_1 {strides = array<i32>} : memref<768xf32, #tpu.memory_space<vmem>>, vector<16xf32>,
    %swap3A_91 = arith.constant 720 : index
    %swap3A_92 = tpu.vector_load %arg7[%swap3A_91] {strides = array<i32>} : memref<768xf32, #tpu.memory_space<vmem>>, vector<16xf32>,
    tpu.vector_store %arg7[%swap3A_91], %broadcast_in_dim3A_1 {strides = array<i32>} : memref<768xf32, #tpu.memory_space<vmem>>, vector<16xf32>,
    %swap3A_93 = arith.constant 736 : index
    %swap3A_94 = tpu.vector_load %arg7[%swap3A_93] {strides = array<i32>} : memref<768xf32, #tpu.memory_space<vmem>>, vector<16xf32>,
    tpu.vector_store %arg7[%swap3A_93], %broadcast_in_dim3A_1 {strides = array<i32>} : memref<768xf32, #tpu.memory_space<vmem>>, vector<16xf32>,
    %swap3A_95 = arith.constant 752 : index
    %swap3A_96 = tpu.vector_load %arg7[%swap3A_95] {strides = array<i32>} : memref<768xf32, #tpu.memory_space<vmem>>, vector<16xf32>,
    tpu.vector_store %arg7[%swap3A_95], %broadcast_in_dim3A_1 {strides = array<i32>} : memref<768xf32, #tpu.memory_space<vmem>>, vector<16xf32>,
    %iota3A = tpu.iota {dimensions = array<i32: 0>} : vector<16xi32>
    %mul3A_97 = arith.constant 16 : i32
    %mul3A_98 = vector.broadcast %mul3A_97 : i32 to vector<16xi32>
    %mul3A_99 = arith.muli %iota3A, %mul3A_98 : vector<16xi32>
    %iota3A_100 = tpu.iota {dimensions = array<i32: 0>} : vector<16xi32>
    %broadcast_in_dim3A_101 = arith.constant 1.000000e+00 : f32
    %broadcast_in_dim3A_102 = vector.broadcast %broadcast_in_dim3A_101 : f32 to vector<16xf32>
    %sub3A = arith.constant 500000 : i32
    %sub3A_103 = arith.subi %sub3A, %mul3A_0 : i32
    %jit3A = arith.constant 16 : i32
    %div3A = arith.divsi %sub3A_103, %jit3A : i32
    %sign3A = arith.constant 0 : i32
    %sign3A_104 = arith.cmpi sgt, %sub3A_103, %sign3A : i32
    %sign3A_105 = arith.extui %sign3A_104 : i1 to i32
    %sign3A_106 = arith.constant 0 : i32
    %sign3A_107 = arith.cmpi slt, %sub3A_103, %sign3A_106 : i32
    %sign3A_108 = arith.extui %sign3A_107 : i1 to i32
    %sign3A_109 = arith.subi %sign3A_105, %sign3A_108 : i32
    %sign3A_110 = arith.constant 0 : i32
    %sign3A_111 = arith.cmpi sgt, %jit3A, %sign3A_110 : i32
    %sign3A_112 = arith.extui %sign3A_111 : i1 to i32
    %sign3A_113 = arith.constant 0 : i32
    %sign3A_114 = arith.cmpi slt, %jit3A, %sign3A_113 : i32
    %sign3A_115 = arith.extui %sign3A_114 : i1 to i32
    %sign3A_116 = arith.subi %sign3A_112, %sign3A_115 : i32
    %ne3A = arith.cmpi ne, %sign3A_109, %sign3A_116 : i32
    %rem3A = arith.remsi %sub3A_103, %jit3A : i32
    %ne3A_117 = arith.constant 0 : i32
    %ne3A_118 = arith.cmpi ne, %rem3A, %ne3A_117 : i32
    %and3A = arith.andi %ne3A, %ne3A_118 : i1
    %sub3A_119 = arith.constant 1 : i32
    %sub3A_120 = arith.subi %div3A, %sub3A_119 : i32
    %select_n3A = arith.select %and3A, %sub3A_120, %div3A : i32
    %jit3A_121 = arith.constant 0 : i32
    %jit3A_122 = arith.constant 1632 : i32
    %max3A = arith.maxsi %jit3A_121, %select_n3A : i32
    %min3A = arith.minsi %jit3A_122, %max3A : i32
    %parallel_loop3A = arith.constant 0 : i32
    %parallel_loop3A_123 = arith.constant 1 : i32
    scf.for %parallel_loop3A_275 = %parallel_loop3A to %min3A step %parallel_loop3A_123  : i32 {
      %parallel_loop3A_276 = arith.constant 16 : i32
      %parallel_loop3A_277 = arith.muli %parallel_loop3A_275, %parallel_loop3A_276 : i32
      %parallel_loop3A_278 = arith.index_cast %parallel_loop3A_277 : i32 to index
      %parallel_loop3A_279 = tpu.vector_load %arg5[%parallel_loop3A_278] {strides = array<i32>} : memref<26112xf32, #tpu.memory_space<vmem>>, vector<16xf32>,
      %parallel_loop3A_280 = arith.index_cast %parallel_loop3A_277 : i32 to index
      %parallel_loop3A_281 = tpu.vector_load %arg6[%parallel_loop3A_280] {strides = array<i32>} : memref<26112xf32, #tpu.memory_space<vmem>>, vector<16xf32>,
      %parallel_loop3A_282 = arith.constant 1.500000e+01 : f32
      %parallel_loop3A_283 = vector.broadcast %parallel_loop3A_282 : f32 to vector<16xf32>
      %parallel_loop3A_284 = arith.mulf %parallel_loop3A_279, %parallel_loop3A_283 : vector<16xf32>
      %parallel_loop3A_285 = arith.fptosi %parallel_loop3A_284 : vector<16xf32> to vector<16xi32>
      %parallel_loop3A_286 = arith.constant 14 : i32
      %parallel_loop3A_287 = vector.broadcast %parallel_loop3A_286 : i32 to vector<16xi32>
      %parallel_loop3A_288 = arith.minsi %parallel_loop3A_285, %parallel_loop3A_287 : vector<16xi32>
      %parallel_loop3A_289 = arith.addi %mul3A_99, %parallel_loop3A_288 : vector<16xi32>
      tpu.vector_store_idx %arg7[%parallel_loop3A_289], %broadcast_in_dim3A_102 {add = true} : memref<768xf32, #tpu.memory_space<vmem>>[vector<16xi32>], vector<16xf32>,
      %parallel_loop3A_290 = arith.constant 256 : i32
      %parallel_loop3A_291 = vector.broadcast %parallel_loop3A_290 : i32 to vector<16xi32>
      %parallel_loop3A_292 = arith.addi %parallel_loop3A_289, %parallel_loop3A_291 : vector<16xi32>
      tpu.vector_store_idx %arg7[%parallel_loop3A_292], %parallel_loop3A_279 {add = true} : memref<768xf32, #tpu.memory_space<vmem>>[vector<16xi32>], vector<16xf32>,
      %parallel_loop3A_293 = arith.constant 512 : i32
      %parallel_loop3A_294 = vector.broadcast %parallel_loop3A_293 : i32 to vector<16xi32>
      %parallel_loop3A_295 = arith.addi %parallel_loop3A_289, %parallel_loop3A_294 : vector<16xi32>
      tpu.vector_store_idx %arg7[%parallel_loop3A_295], %parallel_loop3A_281 {add = true} : memref<768xf32, #tpu.memory_space<vmem>>[vector<16xi32>], vector<16xf32>,
    } {sc.loop_unroll_factor = 4 : i64, sc.parallel_access}
    %get3A = arith.constant 0 : index
    %get3A_124 = tpu.vector_load %arg7[%get3A] {strides = array<i32>} : memref<768xf32, #tpu.memory_space<vmem>>, vector<16xf32>,
    %get3A_125 = arith.constant 16 : index
    %get3A_126 = tpu.vector_load %arg7[%get3A_125] {strides = array<i32>} : memref<768xf32, #tpu.memory_space<vmem>>, vector<16xf32>,
    %add3A = arith.addf %get3A_124, %get3A_126 : vector<16xf32>
    %get3A_127 = arith.constant 32 : index
    %get3A_128 = tpu.vector_load %arg7[%get3A_127] {strides = array<i32>} : memref<768xf32, #tpu.memory_space<vmem>>, vector<16xf32>,
    %add3A_129 = arith.addf %add3A, %get3A_128 : vector<16xf32>
    %get3A_130 = arith.constant 48 : index
    %get3A_131 = tpu.vector_load %arg7[%get3A_130] {strides = array<i32>} : memref<768xf32, #tpu.memory_space<vmem>>, vector<16xf32>,
    %add3A_132 = arith.addf %add3A_129, %get3A_131 : vector<16xf32>
    %get3A_133 = arith.constant 64 : index
    %get3A_134 = tpu.vector_load %arg7[%get3A_133] {strides = array<i32>} : memref<768xf32, #tpu.memory_space<vmem>>, vector<16xf32>,
    %add3A_135 = arith.addf %add3A_132, %get3A_134 : vector<16xf32>
    %get3A_136 = arith.constant 80 : index
    %get3A_137 = tpu.vector_load %arg7[%get3A_136] {strides = array<i32>} : memref<768xf32, #tpu.memory_space<vmem>>, vector<16xf32>,
    %add3A_138 = arith.addf %add3A_135, %get3A_137 : vector<16xf32>
    %get3A_139 = arith.constant 96 : index
    %get3A_140 = tpu.vector_load %arg7[%get3A_139] {strides = array<i32>} : memref<768xf32, #tpu.memory_space<vmem>>, vector<16xf32>,
    %add3A_141 = arith.addf %add3A_138, %get3A_140 : vector<16xf32>
    %get3A_142 = arith.constant 112 : index
    %get3A_143 = tpu.vector_load %arg7[%get3A_142] {strides = array<i32>} : memref<768xf32, #tpu.memory_space<vmem>>, vector<16xf32>,
    %add3A_144 = arith.addf %add3A_141, %get3A_143 : vector<16xf32>
    %get3A_145 = arith.constant 128 : index
    %get3A_146 = tpu.vector_load %arg7[%get3A_145] {strides = array<i32>} : memref<768xf32, #tpu.memory_space<vmem>>, vector<16xf32>,
    %add3A_147 = arith.addf %add3A_144, %get3A_146 : vector<16xf32>
    %get3A_148 = arith.constant 144 : index
    %get3A_149 = tpu.vector_load %arg7[%get3A_148] {strides = array<i32>} : memref<768xf32, #tpu.memory_space<vmem>>, vector<16xf32>,
    %add3A_150 = arith.addf %add3A_147, %get3A_149 : vector<16xf32>
    %get3A_151 = arith.constant 160 : index
    %get3A_152 = tpu.vector_load %arg7[%get3A_151] {strides = array<i32>} : memref<768xf32, #tpu.memory_space<vmem>>, vector<16xf32>,
    %add3A_153 = arith.addf %add3A_150, %get3A_152 : vector<16xf32>
    %get3A_154 = arith.constant 176 : index
    %get3A_155 = tpu.vector_load %arg7[%get3A_154] {strides = array<i32>} : memref<768xf32, #tpu.memory_space<vmem>>, vector<16xf32>,
    %add3A_156 = arith.addf %add3A_153, %get3A_155 : vector<16xf32>
    %get3A_157 = arith.constant 192 : index
    %get3A_158 = tpu.vector_load %arg7[%get3A_157] {strides = array<i32>} : memref<768xf32, #tpu.memory_space<vmem>>, vector<16xf32>,
    %add3A_159 = arith.addf %add3A_156, %get3A_158 : vector<16xf32>
    %get3A_160 = arith.constant 208 : index
    %get3A_161 = tpu.vector_load %arg7[%get3A_160] {strides = array<i32>} : memref<768xf32, #tpu.memory_space<vmem>>, vector<16xf32>,
    %add3A_162 = arith.addf %add3A_159, %get3A_161 : vector<16xf32>
    %get3A_163 = arith.constant 224 : index
    %get3A_164 = tpu.vector_load %arg7[%get3A_163] {strides = array<i32>} : memref<768xf32, #tpu.memory_space<vmem>>, vector<16xf32>,
    %add3A_165 = arith.addf %add3A_162, %get3A_164 : vector<16xf32>
    %get3A_166 = arith.constant 240 : index
    %get3A_167 = tpu.vector_load %arg7[%get3A_166] {strides = array<i32>} : memref<768xf32, #tpu.memory_space<vmem>>, vector<16xf32>,
    %add3A_168 = arith.addf %add3A_165, %get3A_167 : vector<16xf32>
    %swap3A_169 = arith.constant 0 : index
    %swap3A_170 = tpu.vector_load %arg8[%swap3A_169] {strides = array<i32>} : memref<64xf32, #tpu.memory_space<vmem>>, vector<16xf32>,
    tpu.vector_store %arg8[%swap3A_169], %add3A_168 {strides = array<i32>} : memref<64xf32, #tpu.memory_space<vmem>>, vector<16xf32>,
    %get3A_171 = arith.constant 256 : index
    %get3A_172 = tpu.vector_load %arg7[%get3A_171] {strides = array<i32>} : memref<768xf32, #tpu.memory_space<vmem>>, vector<16xf32>,
    %get3A_173 = arith.constant 272 : index
    %get3A_174 = tpu.vector_load %arg7[%get3A_173] {strides = array<i32>} : memref<768xf32, #tpu.memory_space<vmem>>, vector<16xf32>,
    %add3A_175 = arith.addf %get3A_172, %get3A_174 : vector<16xf32>
    %get3A_176 = arith.constant 288 : index
    %get3A_177 = tpu.vector_load %arg7[%get3A_176] {strides = array<i32>} : memref<768xf32, #tpu.memory_space<vmem>>, vector<16xf32>,
    %add3A_178 = arith.addf %add3A_175, %get3A_177 : vector<16xf32>
    %get3A_179 = arith.constant 304 : index
    %get3A_180 = tpu.vector_load %arg7[%get3A_179] {strides = array<i32>} : memref<768xf32, #tpu.memory_space<vmem>>, vector<16xf32>,
    %add3A_181 = arith.addf %add3A_178, %get3A_180 : vector<16xf32>
    %get3A_182 = arith.constant 320 : index
    %get3A_183 = tpu.vector_load %arg7[%get3A_182] {strides = array<i32>} : memref<768xf32, #tpu.memory_space<vmem>>, vector<16xf32>,
    %add3A_184 = arith.addf %add3A_181, %get3A_183 : vector<16xf32>
    %get3A_185 = arith.constant 336 : index
    %get3A_186 = tpu.vector_load %arg7[%get3A_185] {strides = array<i32>} : memref<768xf32, #tpu.memory_space<vmem>>, vector<16xf32>,
    %add3A_187 = arith.addf %add3A_184, %get3A_186 : vector<16xf32>
    %get3A_188 = arith.constant 352 : index
    %get3A_189 = tpu.vector_load %arg7[%get3A_188] {strides = array<i32>} : memref<768xf32, #tpu.memory_space<vmem>>, vector<16xf32>,
    %add3A_190 = arith.addf %add3A_187, %get3A_189 : vector<16xf32>
    %get3A_191 = arith.constant 368 : index
    %get3A_192 = tpu.vector_load %arg7[%get3A_191] {strides = array<i32>} : memref<768xf32, #tpu.memory_space<vmem>>, vector<16xf32>,
    %add3A_193 = arith.addf %add3A_190, %get3A_192 : vector<16xf32>
    %get3A_194 = arith.constant 384 : index
    %get3A_195 = tpu.vector_load %arg7[%get3A_194] {strides = array<i32>} : memref<768xf32, #tpu.memory_space<vmem>>, vector<16xf32>,
    %add3A_196 = arith.addf %add3A_193, %get3A_195 : vector<16xf32>
    %get3A_197 = arith.constant 400 : index
    %get3A_198 = tpu.vector_load %arg7[%get3A_197] {strides = array<i32>} : memref<768xf32, #tpu.memory_space<vmem>>, vector<16xf32>,
    %add3A_199 = arith.addf %add3A_196, %get3A_198 : vector<16xf32>
    %get3A_200 = arith.constant 416 : index
    %get3A_201 = tpu.vector_load %arg7[%get3A_200] {strides = array<i32>} : memref<768xf32, #tpu.memory_space<vmem>>, vector<16xf32>,
    %add3A_202 = arith.addf %add3A_199, %get3A_201 : vector<16xf32>
    %get3A_203 = arith.constant 432 : index
    %get3A_204 = tpu.vector_load %arg7[%get3A_203] {strides = array<i32>} : memref<768xf32, #tpu.memory_space<vmem>>, vector<16xf32>,
    %add3A_205 = arith.addf %add3A_202, %get3A_204 : vector<16xf32>
    %get3A_206 = arith.constant 448 : index
    %get3A_207 = tpu.vector_load %arg7[%get3A_206] {strides = array<i32>} : memref<768xf32, #tpu.memory_space<vmem>>, vector<16xf32>,
    %add3A_208 = arith.addf %add3A_205, %get3A_207 : vector<16xf32>
    %get3A_209 = arith.constant 464 : index
    %get3A_210 = tpu.vector_load %arg7[%get3A_209] {strides = array<i32>} : memref<768xf32, #tpu.memory_space<vmem>>, vector<16xf32>,
    %add3A_211 = arith.addf %add3A_208, %get3A_210 : vector<16xf32>
    %get3A_212 = arith.constant 480 : index
    %get3A_213 = tpu.vector_load %arg7[%get3A_212] {strides = array<i32>} : memref<768xf32, #tpu.memory_space<vmem>>, vector<16xf32>,
    %add3A_214 = arith.addf %add3A_211, %get3A_213 : vector<16xf32>
    %get3A_215 = arith.constant 496 : index
    %get3A_216 = tpu.vector_load %arg7[%get3A_215] {strides = array<i32>} : memref<768xf32, #tpu.memory_space<vmem>>, vector<16xf32>,
    %add3A_217 = arith.addf %add3A_214, %get3A_216 : vector<16xf32>
    %swap3A_218 = arith.constant 16 : index
    %swap3A_219 = tpu.vector_load %arg8[%swap3A_218] {strides = array<i32>} : memref<64xf32, #tpu.memory_space<vmem>>, vector<16xf32>,
    tpu.vector_store %arg8[%swap3A_218], %add3A_217 {strides = array<i32>} : memref<64xf32, #tpu.memory_space<vmem>>, vector<16xf32>,
    %get3A_220 = arith.constant 512 : index
    %get3A_221 = tpu.vector_load %arg7[%get3A_220] {strides = array<i32>} : memref<768xf32, #tpu.memory_space<vmem>>, vector<16xf32>,
    %get3A_222 = arith.constant 528 : index
    %get3A_223 = tpu.vector_load %arg7[%get3A_222] {strides = array<i32>} : memref<768xf32, #tpu.memory_space<vmem>>, vector<16xf32>,
    %add3A_224 = arith.addf %get3A_221, %get3A_223 : vector<16xf32>
    %get3A_225 = arith.constant 544 : index
    %get3A_226 = tpu.vector_load %arg7[%get3A_225] {strides = array<i32>} : memref<768xf32, #tpu.memory_space<vmem>>, vector<16xf32>,
    %add3A_227 = arith.addf %add3A_224, %get3A_226 : vector<16xf32>
    %get3A_228 = arith.constant 560 : index
    %get3A_229 = tpu.vector_load %arg7[%get3A_228] {strides = array<i32>} : memref<768xf32, #tpu.memory_space<vmem>>, vector<16xf32>,
    %add3A_230 = arith.addf %add3A_227, %get3A_229 : vector<16xf32>
    %get3A_231 = arith.constant 576 : index
    %get3A_232 = tpu.vector_load %arg7[%get3A_231] {strides = array<i32>} : memref<768xf32, #tpu.memory_space<vmem>>, vector<16xf32>,
    %add3A_233 = arith.addf %add3A_230, %get3A_232 : vector<16xf32>
    %get3A_234 = arith.constant 592 : index
    %get3A_235 = tpu.vector_load %arg7[%get3A_234] {strides = array<i32>} : memref<768xf32, #tpu.memory_space<vmem>>, vector<16xf32>,
    %add3A_236 = arith.addf %add3A_233, %get3A_235 : vector<16xf32>
    %get3A_237 = arith.constant 608 : index
    %get3A_238 = tpu.vector_load %arg7[%get3A_237] {strides = array<i32>} : memref<768xf32, #tpu.memory_space<vmem>>, vector<16xf32>,
    %add3A_239 = arith.addf %add3A_236, %get3A_238 : vector<16xf32>
    %get3A_240 = arith.constant 624 : index
    %get3A_241 = tpu.vector_load %arg7[%get3A_240] {strides = array<i32>} : memref<768xf32, #tpu.memory_space<vmem>>, vector<16xf32>,
    %add3A_242 = arith.addf %add3A_239, %get3A_241 : vector<16xf32>
    %get3A_243 = arith.constant 640 : index
    %get3A_244 = tpu.vector_load %arg7[%get3A_243] {strides = array<i32>} : memref<768xf32, #tpu.memory_space<vmem>>, vector<16xf32>,
    %add3A_245 = arith.addf %add3A_242, %get3A_244 : vector<16xf32>
    %get3A_246 = arith.constant 656 : index
    %get3A_247 = tpu.vector_load %arg7[%get3A_246] {strides = array<i32>} : memref<768xf32, #tpu.memory_space<vmem>>, vector<16xf32>,
    %add3A_248 = arith.addf %add3A_245, %get3A_247 : vector<16xf32>
    %get3A_249 = arith.constant 672 : index
    %get3A_250 = tpu.vector_load %arg7[%get3A_249] {strides = array<i32>} : memref<768xf32, #tpu.memory_space<vmem>>, vector<16xf32>,
    %add3A_251 = arith.addf %add3A_248, %get3A_250 : vector<16xf32>
    %get3A_252 = arith.constant 688 : index
    %get3A_253 = tpu.vector_load %arg7[%get3A_252] {strides = array<i32>} : memref<768xf32, #tpu.memory_space<vmem>>, vector<16xf32>,
    %add3A_254 = arith.addf %add3A_251, %get3A_253 : vector<16xf32>
    %get3A_255 = arith.constant 704 : index
    %get3A_256 = tpu.vector_load %arg7[%get3A_255] {strides = array<i32>} : memref<768xf32, #tpu.memory_space<vmem>>, vector<16xf32>,
    %add3A_257 = arith.addf %add3A_254, %get3A_256 : vector<16xf32>
    %get3A_258 = arith.constant 720 : index
    %get3A_259 = tpu.vector_load %arg7[%get3A_258] {strides = array<i32>} : memref<768xf32, #tpu.memory_space<vmem>>, vector<16xf32>,
    %add3A_260 = arith.addf %add3A_257, %get3A_259 : vector<16xf32>
    %get3A_261 = arith.constant 736 : index
    %get3A_262 = tpu.vector_load %arg7[%get3A_261] {strides = array<i32>} : memref<768xf32, #tpu.memory_space<vmem>>, vector<16xf32>,
    %add3A_263 = arith.addf %add3A_260, %get3A_262 : vector<16xf32>
    %get3A_264 = arith.constant 752 : index
    %get3A_265 = tpu.vector_load %arg7[%get3A_264] {strides = array<i32>} : memref<768xf32, #tpu.memory_space<vmem>>, vector<16xf32>,
    %add3A_266 = arith.addf %add3A_263, %get3A_265 : vector<16xf32>
    %swap3A_267 = arith.constant 32 : index
    %swap3A_268 = tpu.vector_load %arg8[%swap3A_267] {strides = array<i32>} : memref<64xf32, #tpu.memory_space<vmem>>, vector<16xf32>,
    tpu.vector_store %arg8[%swap3A_267], %add3A_266 {strides = array<i32>} : memref<64xf32, #tpu.memory_space<vmem>>, vector<16xf32>,
    %swap3A_269 = arith.constant 48 : index
    %swap3A_270 = tpu.vector_load %arg8[%swap3A_269] {strides = array<i32>} : memref<64xf32, #tpu.memory_space<vmem>>, vector<16xf32>,
    tpu.vector_store %arg8[%swap3A_269], %broadcast_in_dim3A_1 {strides = array<i32>} : memref<64xf32, #tpu.memory_space<vmem>>, vector<16xf32>,
    %mul3A_271 = arith.constant 64 : i32
    %mul3A_272 = arith.muli %arg1, %mul3A_271 : i32
    "tpu.region"() ({
      %run_scoped3A = tpu.sem_alloc : memref<!tpu.dma_semaphore, #tpu.memory_space<semaphore_mem>>
      %dma_start3A = tpu.memref_slice %arg9[%mul3A_272] : memref<1024xf32, #tpu.memory_space<vmem_shared>> -> memref<64xf32, #tpu.memory_space<vmem_shared>>
      %dma_start3A_275 = tpu.memref_slice %arg9[%mul3A_272] : memref<1024xf32, #tpu.memory_space<vmem_shared>> -> memref<64xf32, #tpu.memory_space<vmem_shared>>
      tpu.enqueue_dma source(%arg8 : memref<64xf32, #tpu.memory_space<vmem>>) target(%dma_start3A_275 : memref<64xf32, #tpu.memory_space<vmem_shared>>) target_semaphore(%run_scoped3A : memref<!tpu.dma_semaphore, #tpu.memory_space<semaphore_mem>>)
      %dma_wait3A = tpu.memref_slice %arg9[%mul3A_272] : memref<1024xf32, #tpu.memory_space<vmem_shared>> -> memref<64xf32, #tpu.memory_space<vmem_shared>>
      %dma_wait3A_276 = tpu.memref_slice %arg9[%mul3A_272] : memref<1024xf32, #tpu.memory_space<vmem_shared>> -> memref<64xf32, #tpu.memory_space<vmem_shared>>
      tpu.wait_dma2 semaphore(%run_scoped3A : memref<!tpu.dma_semaphore, #tpu.memory_space<semaphore_mem>>) src(%arg8 : memref<64xf32, #tpu.memory_space<vmem>>) dst(%dma_wait3A_276 : memref<64xf32, #tpu.memory_space<vmem_shared>>)
      tpu.yield
    }) : () -> ()
    %barrier3A = arith.constant 0 : index
    tpu.barrier barrier_id(%barrier3A)
    %eq3A = arith.constant 0 : i32
    %eq3A_273 = arith.cmpi eq, %arg1, %eq3A : i32
    %convert_element_type3A = arith.extui %eq3A_273 : i1 to i32
    %cond3A = arith.constant 0 : i32
    %cond3A_274 = arith.cmpi ne, %convert_element_type3A, %cond3A : i32
    scf.if %cond3A_274 {
      "tpu.region"() ({
        %run_scoped3A = tpu.sem_alloc : memref<!tpu.dma_semaphore, #tpu.memory_space<semaphore_mem>>
        tpu.enqueue_dma source(%arg9 : memref<1024xf32, #tpu.memory_space<vmem_shared>>) target(%arg10 : memref<1024xf32, #tpu.memory_space<vmem>>) target_semaphore(%run_scoped3A : memref<!tpu.dma_semaphore, #tpu.memory_space<semaphore_mem>>)
        tpu.wait_dma2 semaphore(%run_scoped3A : memref<!tpu.dma_semaphore, #tpu.memory_space<semaphore_mem>>) src(%arg9 : memref<1024xf32, #tpu.memory_space<vmem_shared>>) dst(%arg10 : memref<1024xf32, #tpu.memory_space<vmem>>)
        tpu.yield
      }) : () -> ()
      %get3A_275 = arith.constant 0 : index
      %get3A_276 = tpu.vector_load %arg10[%get3A_275] {strides = array<i32>} : memref<1024xf32, #tpu.memory_space<vmem>>, vector<16xf32>,
      %get3A_277 = arith.constant 64 : index
      %get3A_278 = tpu.vector_load %arg10[%get3A_277] {strides = array<i32>} : memref<1024xf32, #tpu.memory_space<vmem>>, vector<16xf32>,
      %add3A_279 = arith.addf %get3A_276, %get3A_278 : vector<16xf32>
      %get3A_280 = arith.constant 128 : index
      %get3A_281 = tpu.vector_load %arg10[%get3A_280] {strides = array<i32>} : memref<1024xf32, #tpu.memory_space<vmem>>, vector<16xf32>,
      %add3A_282 = arith.addf %add3A_279, %get3A_281 : vector<16xf32>
      %get3A_283 = arith.constant 192 : index
      %get3A_284 = tpu.vector_load %arg10[%get3A_283] {strides = array<i32>} : memref<1024xf32, #tpu.memory_space<vmem>>, vector<16xf32>,
      %add3A_285 = arith.addf %add3A_282, %get3A_284 : vector<16xf32>
      %get3A_286 = arith.constant 256 : index
      %get3A_287 = tpu.vector_load %arg10[%get3A_286] {strides = array<i32>} : memref<1024xf32, #tpu.memory_space<vmem>>, vector<16xf32>,
      %add3A_288 = arith.addf %add3A_285, %get3A_287 : vector<16xf32>
      %get3A_289 = arith.constant 320 : index
      %get3A_290 = tpu.vector_load %arg10[%get3A_289] {strides = array<i32>} : memref<1024xf32, #tpu.memory_space<vmem>>, vector<16xf32>,
      %add3A_291 = arith.addf %add3A_288, %get3A_290 : vector<16xf32>
      %get3A_292 = arith.constant 384 : index
      %get3A_293 = tpu.vector_load %arg10[%get3A_292] {strides = array<i32>} : memref<1024xf32, #tpu.memory_space<vmem>>, vector<16xf32>,
      %add3A_294 = arith.addf %add3A_291, %get3A_293 : vector<16xf32>
      %get3A_295 = arith.constant 448 : index
      %get3A_296 = tpu.vector_load %arg10[%get3A_295] {strides = array<i32>} : memref<1024xf32, #tpu.memory_space<vmem>>, vector<16xf32>,
      %add3A_297 = arith.addf %add3A_294, %get3A_296 : vector<16xf32>
      %get3A_298 = arith.constant 512 : index
      %get3A_299 = tpu.vector_load %arg10[%get3A_298] {strides = array<i32>} : memref<1024xf32, #tpu.memory_space<vmem>>, vector<16xf32>,
      %add3A_300 = arith.addf %add3A_297, %get3A_299 : vector<16xf32>
      %get3A_301 = arith.constant 576 : index
      %get3A_302 = tpu.vector_load %arg10[%get3A_301] {strides = array<i32>} : memref<1024xf32, #tpu.memory_space<vmem>>, vector<16xf32>,
      %add3A_303 = arith.addf %add3A_300, %get3A_302 : vector<16xf32>
      %get3A_304 = arith.constant 640 : index
      %get3A_305 = tpu.vector_load %arg10[%get3A_304] {strides = array<i32>} : memref<1024xf32, #tpu.memory_space<vmem>>, vector<16xf32>,
      %add3A_306 = arith.addf %add3A_303, %get3A_305 : vector<16xf32>
      %get3A_307 = arith.constant 704 : index
      %get3A_308 = tpu.vector_load %arg10[%get3A_307] {strides = array<i32>} : memref<1024xf32, #tpu.memory_space<vmem>>, vector<16xf32>,
      %add3A_309 = arith.addf %add3A_306, %get3A_308 : vector<16xf32>
      %get3A_310 = arith.constant 768 : index
      %get3A_311 = tpu.vector_load %arg10[%get3A_310] {strides = array<i32>} : memref<1024xf32, #tpu.memory_space<vmem>>, vector<16xf32>,
      %add3A_312 = arith.addf %add3A_309, %get3A_311 : vector<16xf32>
      %get3A_313 = arith.constant 832 : index
      %get3A_314 = tpu.vector_load %arg10[%get3A_313] {strides = array<i32>} : memref<1024xf32, #tpu.memory_space<vmem>>, vector<16xf32>,
      %add3A_315 = arith.addf %add3A_312, %get3A_314 : vector<16xf32>
      %get3A_316 = arith.constant 896 : index
      %get3A_317 = tpu.vector_load %arg10[%get3A_316] {strides = array<i32>} : memref<1024xf32, #tpu.memory_space<vmem>>, vector<16xf32>,
      %add3A_318 = arith.addf %add3A_315, %get3A_317 : vector<16xf32>
      %get3A_319 = arith.constant 960 : index
      %get3A_320 = tpu.vector_load %arg10[%get3A_319] {strides = array<i32>} : memref<1024xf32, #tpu.memory_space<vmem>>, vector<16xf32>,
      %add3A_321 = arith.addf %add3A_318, %get3A_320 : vector<16xf32>
      %get3A_322 = arith.constant 16 : index
      %get3A_323 = tpu.vector_load %arg10[%get3A_322] {strides = array<i32>} : memref<1024xf32, #tpu.memory_space<vmem>>, vector<16xf32>,
      %get3A_324 = arith.constant 80 : index
      %get3A_325 = tpu.vector_load %arg10[%get3A_324] {strides = array<i32>} : memref<1024xf32, #tpu.memory_space<vmem>>, vector<16xf32>,
      %add3A_326 = arith.addf %get3A_323, %get3A_325 : vector<16xf32>
      %get3A_327 = arith.constant 144 : index
      %get3A_328 = tpu.vector_load %arg10[%get3A_327] {strides = array<i32>} : memref<1024xf32, #tpu.memory_space<vmem>>, vector<16xf32>,
      %add3A_329 = arith.addf %add3A_326, %get3A_328 : vector<16xf32>
      %get3A_330 = arith.constant 208 : index
      %get3A_331 = tpu.vector_load %arg10[%get3A_330] {strides = array<i32>} : memref<1024xf32, #tpu.memory_space<vmem>>, vector<16xf32>,
      %add3A_332 = arith.addf %add3A_329, %get3A_331 : vector<16xf32>
      %get3A_333 = arith.constant 272 : index
      %get3A_334 = tpu.vector_load %arg10[%get3A_333] {strides = array<i32>} : memref<1024xf32, #tpu.memory_space<vmem>>, vector<16xf32>,
      %add3A_335 = arith.addf %add3A_332, %get3A_334 : vector<16xf32>
      %get3A_336 = arith.constant 336 : index
      %get3A_337 = tpu.vector_load %arg10[%get3A_336] {strides = array<i32>} : memref<1024xf32, #tpu.memory_space<vmem>>, vector<16xf32>,
      %add3A_338 = arith.addf %add3A_335, %get3A_337 : vector<16xf32>
      %get3A_339 = arith.constant 400 : index
      %get3A_340 = tpu.vector_load %arg10[%get3A_339] {strides = array<i32>} : memref<1024xf32, #tpu.memory_space<vmem>>, vector<16xf32>,
      %add3A_341 = arith.addf %add3A_338, %get3A_340 : vector<16xf32>
      %get3A_342 = arith.constant 464 : index
      %get3A_343 = tpu.vector_load %arg10[%get3A_342] {strides = array<i32>} : memref<1024xf32, #tpu.memory_space<vmem>>, vector<16xf32>,
      %add3A_344 = arith.addf %add3A_341, %get3A_343 : vector<16xf32>
      %get3A_345 = arith.constant 528 : index
      %get3A_346 = tpu.vector_load %arg10[%get3A_345] {strides = array<i32>} : memref<1024xf32, #tpu.memory_space<vmem>>, vector<16xf32>,
      %add3A_347 = arith.addf %add3A_344, %get3A_346 : vector<16xf32>
      %get3A_348 = arith.constant 592 : index
      %get3A_349 = tpu.vector_load %arg10[%get3A_348] {strides = array<i32>} : memref<1024xf32, #tpu.memory_space<vmem>>, vector<16xf32>,
      %add3A_350 = arith.addf %add3A_347, %get3A_349 : vector<16xf32>
      %get3A_351 = arith.constant 656 : index
      %get3A_352 = tpu.vector_load %arg10[%get3A_351] {strides = array<i32>} : memref<1024xf32, #tpu.memory_space<vmem>>, vector<16xf32>,
      %add3A_353 = arith.addf %add3A_350, %get3A_352 : vector<16xf32>
      %get3A_354 = arith.constant 720 : index
      %get3A_355 = tpu.vector_load %arg10[%get3A_354] {strides = array<i32>} : memref<1024xf32, #tpu.memory_space<vmem>>, vector<16xf32>,
      %add3A_356 = arith.addf %add3A_353, %get3A_355 : vector<16xf32>
      %get3A_357 = arith.constant 784 : index
      %get3A_358 = tpu.vector_load %arg10[%get3A_357] {strides = array<i32>} : memref<1024xf32, #tpu.memory_space<vmem>>, vector<16xf32>,
      %add3A_359 = arith.addf %add3A_356, %get3A_358 : vector<16xf32>
      %get3A_360 = arith.constant 848 : index
      %get3A_361 = tpu.vector_load %arg10[%get3A_360] {strides = array<i32>} : memref<1024xf32, #tpu.memory_space<vmem>>, vector<16xf32>,
      %add3A_362 = arith.addf %add3A_359, %get3A_361 : vector<16xf32>
      %get3A_363 = arith.constant 912 : index
      %get3A_364 = tpu.vector_load %arg10[%get3A_363] {strides = array<i32>} : memref<1024xf32, #tpu.memory_space<vmem>>, vector<16xf32>,
      %add3A_365 = arith.addf %add3A_362, %get3A_364 : vector<16xf32>
      %get3A_366 = arith.constant 976 : index
      %get3A_367 = tpu.vector_load %arg10[%get3A_366] {strides = array<i32>} : memref<1024xf32, #tpu.memory_space<vmem>>, vector<16xf32>,
      %add3A_368 = arith.addf %add3A_365, %get3A_367 : vector<16xf32>
      %get3A_369 = arith.constant 32 : index
      %get3A_370 = tpu.vector_load %arg10[%get3A_369] {strides = array<i32>} : memref<1024xf32, #tpu.memory_space<vmem>>, vector<16xf32>,
      %get3A_371 = arith.constant 96 : index
      %get3A_372 = tpu.vector_load %arg10[%get3A_371] {strides = array<i32>} : memref<1024xf32, #tpu.memory_space<vmem>>, vector<16xf32>,
      %add3A_373 = arith.addf %get3A_370, %get3A_372 : vector<16xf32>
      %get3A_374 = arith.constant 160 : index
      %get3A_375 = tpu.vector_load %arg10[%get3A_374] {strides = array<i32>} : memref<1024xf32, #tpu.memory_space<vmem>>, vector<16xf32>,
      %add3A_376 = arith.addf %add3A_373, %get3A_375 : vector<16xf32>
      %get3A_377 = arith.constant 224 : index
      %get3A_378 = tpu.vector_load %arg10[%get3A_377] {strides = array<i32>} : memref<1024xf32, #tpu.memory_space<vmem>>, vector<16xf32>,
      %add3A_379 = arith.addf %add3A_376, %get3A_378 : vector<16xf32>
      %get3A_380 = arith.constant 288 : index
      %get3A_381 = tpu.vector_load %arg10[%get3A_380] {strides = array<i32>} : memref<1024xf32, #tpu.memory_space<vmem>>, vector<16xf32>,
      %add3A_382 = arith.addf %add3A_379, %get3A_381 : vector<16xf32>
      %get3A_383 = arith.constant 352 : index
      %get3A_384 = tpu.vector_load %arg10[%get3A_383] {strides = array<i32>} : memref<1024xf32, #tpu.memory_space<vmem>>, vector<16xf32>,
      %add3A_385 = arith.addf %add3A_382, %get3A_384 : vector<16xf32>
      %get3A_386 = arith.constant 416 : index
      %get3A_387 = tpu.vector_load %arg10[%get3A_386] {strides = array<i32>} : memref<1024xf32, #tpu.memory_space<vmem>>, vector<16xf32>,
      %add3A_388 = arith.addf %add3A_385, %get3A_387 : vector<16xf32>
      %get3A_389 = arith.constant 480 : index
      %get3A_390 = tpu.vector_load %arg10[%get3A_389] {strides = array<i32>} : memref<1024xf32, #tpu.memory_space<vmem>>, vector<16xf32>,
      %add3A_391 = arith.addf %add3A_388, %get3A_390 : vector<16xf32>
      %get3A_392 = arith.constant 544 : index
      %get3A_393 = tpu.vector_load %arg10[%get3A_392] {strides = array<i32>} : memref<1024xf32, #tpu.memory_space<vmem>>, vector<16xf32>,
      %add3A_394 = arith.addf %add3A_391, %get3A_393 : vector<16xf32>
      %get3A_395 = arith.constant 608 : index
      %get3A_396 = tpu.vector_load %arg10[%get3A_395] {strides = array<i32>} : memref<1024xf32, #tpu.memory_space<vmem>>, vector<16xf32>,
      %add3A_397 = arith.addf %add3A_394, %get3A_396 : vector<16xf32>
      %get3A_398 = arith.constant 672 : index
      %get3A_399 = tpu.vector_load %arg10[%get3A_398] {strides = array<i32>} : memref<1024xf32, #tpu.memory_space<vmem>>, vector<16xf32>,
      %add3A_400 = arith.addf %add3A_397, %get3A_399 : vector<16xf32>
      %get3A_401 = arith.constant 736 : index
      %get3A_402 = tpu.vector_load %arg10[%get3A_401] {strides = array<i32>} : memref<1024xf32, #tpu.memory_space<vmem>>, vector<16xf32>,
      %add3A_403 = arith.addf %add3A_400, %get3A_402 : vector<16xf32>
      %get3A_404 = arith.constant 800 : index
      %get3A_405 = tpu.vector_load %arg10[%get3A_404] {strides = array<i32>} : memref<1024xf32, #tpu.memory_space<vmem>>, vector<16xf32>,
      %add3A_406 = arith.addf %add3A_403, %get3A_405 : vector<16xf32>
      %get3A_407 = arith.constant 864 : index
      %get3A_408 = tpu.vector_load %arg10[%get3A_407] {strides = array<i32>} : memref<1024xf32, #tpu.memory_space<vmem>>, vector<16xf32>,
      %add3A_409 = arith.addf %add3A_406, %get3A_408 : vector<16xf32>
      %get3A_410 = arith.constant 928 : index
      %get3A_411 = tpu.vector_load %arg10[%get3A_410] {strides = array<i32>} : memref<1024xf32, #tpu.memory_space<vmem>>, vector<16xf32>,
      %add3A_412 = arith.addf %add3A_409, %get3A_411 : vector<16xf32>
      %get3A_413 = arith.constant 992 : index
      %get3A_414 = tpu.vector_load %arg10[%get3A_413] {strides = array<i32>} : memref<1024xf32, #tpu.memory_space<vmem>>, vector<16xf32>,
      %add3A_415 = arith.addf %add3A_412, %get3A_414 : vector<16xf32>
      %swap3A_416 = arith.constant 0 : index
      %swap3A_417 = tpu.vector_load %arg11[%swap3A_416] {strides = array<i32>} : memref<64xf32, #tpu.memory_space<vmem>>, vector<16xf32>,
      tpu.vector_store %arg11[%swap3A_416], %add3A_321 {strides = array<i32>} : memref<64xf32, #tpu.memory_space<vmem>>, vector<16xf32>,
      %swap3A_418 = arith.constant 16 : index
      %swap3A_419 = tpu.vector_load %arg11[%swap3A_418] {strides = array<i32>} : memref<64xf32, #tpu.memory_space<vmem>>, vector<16xf32>,
      tpu.vector_store %arg11[%swap3A_418], %add3A_368 {strides = array<i32>} : memref<64xf32, #tpu.memory_space<vmem>>, vector<16xf32>,
      %swap3A_420 = arith.constant 32 : index
      %swap3A_421 = tpu.vector_load %arg11[%swap3A_420] {strides = array<i32>} : memref<64xf32, #tpu.memory_space<vmem>>, vector<16xf32>,
      tpu.vector_store %arg11[%swap3A_420], %add3A_415 {strides = array<i32>} : memref<64xf32, #tpu.memory_space<vmem>>, vector<16xf32>,
      %swap3A_422 = arith.constant 48 : index
      %swap3A_423 = tpu.vector_load %arg11[%swap3A_422] {strides = array<i32>} : memref<64xf32, #tpu.memory_space<vmem>>, vector<16xf32>,
      tpu.vector_store %arg11[%swap3A_422], %broadcast_in_dim3A_1 {strides = array<i32>} : memref<64xf32, #tpu.memory_space<vmem>>, vector<16xf32>,
      "tpu.region"() ({
        %run_scoped3A = tpu.sem_alloc : memref<!tpu.dma_semaphore, #tpu.memory_space<semaphore_mem>>
        tpu.enqueue_dma source(%arg11 : memref<64xf32, #tpu.memory_space<vmem>>) target(%arg4 : memref<64xf32, #tpu.memory_space<hbm>>) target_semaphore(%run_scoped3A : memref<!tpu.dma_semaphore, #tpu.memory_space<semaphore_mem>>)
        tpu.wait_dma2 semaphore(%run_scoped3A : memref<!tpu.dma_semaphore, #tpu.memory_space<semaphore_mem>>) src(%arg11 : memref<64xf32, #tpu.memory_space<vmem>>) dst(%arg4 : memref<64xf32, #tpu.memory_space<hbm>>)
        tpu.yield
      }) : () -> ()
    } else {
    }
    return
  }
}

#map = affine_map<(d0, d1) -> (0)>
module attributes {stable_mosaic.version = 14 : i64} {
  func.func @_sc_hist_body(%arg0: i32, %arg1: i32, %arg2: memref<86016xf32, #tpu.memory_space<hbm>>, %arg3: memref<86016xf32, #tpu.memory_space<hbm>>, %arg4: memref<64xf32, #tpu.memory_space<hbm>>, %arg5: memref<16xf32, #tpu.memory_space<hbm>>, %arg6: memref<5376xf32, #tpu.memory_space<vmem>>, %arg7: memref<5376xf32, #tpu.memory_space<vmem>>, %arg8: memref<768xf32, #tpu.memory_space<vmem>>, %arg9: memref<64xf32, #tpu.memory_space<vmem>>, %arg10: memref<1024xf32, #tpu.memory_space<vmem_shared>>, %arg11: memref<1024xf32, #tpu.memory_space<vmem>>, %arg12: memref<64xf32, #tpu.memory_space<vmem>>, %arg13: memref<16xf32, #tpu.memory_space<vmem>>) attributes {dimension_semantics = [#tpu.dimension_semantics<core_parallel>, #tpu.dimension_semantics<subcore_parallel>], iteration_bounds = array<i64: 1, 16>, scalar_prefetch = 0 : i64, scratch_operands = 8 : i64, tpu.core_type = #tpu.core_type<sc_vector_subcore>, window_params = [{transform_indices = #map}, {transform_indices = #map}, {transform_indices = #map}, {transform_indices = #map}]} {
    %mul3A = arith.constant 5376 : i32
    %mul3A_0 = arith.muli %arg1, %mul3A : i32
    "tpu.region"() ({
      %run_scoped3A = tpu.sem_alloc : memref<!tpu.dma_semaphore, #tpu.memory_space<semaphore_mem>>
      %dma_start3A = tpu.memref_slice %arg2[%mul3A_0] : memref<86016xf32, #tpu.memory_space<hbm>> -> memref<5376xf32, #tpu.memory_space<hbm>>
      %dma_start3A_275 = tpu.memref_slice %arg2[%mul3A_0] : memref<86016xf32, #tpu.memory_space<hbm>> -> memref<5376xf32, #tpu.memory_space<hbm>>
      tpu.enqueue_dma source(%dma_start3A_275 : memref<5376xf32, #tpu.memory_space<hbm>>) target(%arg6 : memref<5376xf32, #tpu.memory_space<vmem>>) target_semaphore(%run_scoped3A : memref<!tpu.dma_semaphore, #tpu.memory_space<semaphore_mem>>)
      %dma_wait3A = tpu.memref_slice %arg2[%mul3A_0] : memref<86016xf32, #tpu.memory_space<hbm>> -> memref<5376xf32, #tpu.memory_space<hbm>>
      %dma_wait3A_276 = tpu.memref_slice %arg2[%mul3A_0] : memref<86016xf32, #tpu.memory_space<hbm>> -> memref<5376xf32, #tpu.memory_space<hbm>>
      tpu.wait_dma2 semaphore(%run_scoped3A : memref<!tpu.dma_semaphore, #tpu.memory_space<semaphore_mem>>) src(%dma_wait3A_276 : memref<5376xf32, #tpu.memory_space<hbm>>) dst(%arg6 : memref<5376xf32, #tpu.memory_space<vmem>>)
      tpu.yield
    }) : () -> ()
    "tpu.region"() ({
      %run_scoped3A = tpu.sem_alloc : memref<!tpu.dma_semaphore, #tpu.memory_space<semaphore_mem>>
      %dma_start3A = tpu.memref_slice %arg3[%mul3A_0] : memref<86016xf32, #tpu.memory_space<hbm>> -> memref<5376xf32, #tpu.memory_space<hbm>>
      %dma_start3A_275 = tpu.memref_slice %arg3[%mul3A_0] : memref<86016xf32, #tpu.memory_space<hbm>> -> memref<5376xf32, #tpu.memory_space<hbm>>
      tpu.enqueue_dma source(%dma_start3A_275 : memref<5376xf32, #tpu.memory_space<hbm>>) target(%arg7 : memref<5376xf32, #tpu.memory_space<vmem>>) target_semaphore(%run_scoped3A : memref<!tpu.dma_semaphore, #tpu.memory_space<semaphore_mem>>)
      %dma_wait3A = tpu.memref_slice %arg3[%mul3A_0] : memref<86016xf32, #tpu.memory_space<hbm>> -> memref<5376xf32, #tpu.memory_space<hbm>>
      %dma_wait3A_276 = tpu.memref_slice %arg3[%mul3A_0] : memref<86016xf32, #tpu.memory_space<hbm>> -> memref<5376xf32, #tpu.memory_space<hbm>>
      tpu.wait_dma2 semaphore(%run_scoped3A : memref<!tpu.dma_semaphore, #tpu.memory_space<semaphore_mem>>) src(%dma_wait3A_276 : memref<5376xf32, #tpu.memory_space<hbm>>) dst(%arg7 : memref<5376xf32, #tpu.memory_space<vmem>>)
      tpu.yield
    }) : () -> ()
    %broadcast_in_dim3A = arith.constant 0.000000e+00 : f32
    %broadcast_in_dim3A_1 = vector.broadcast %broadcast_in_dim3A : f32 to vector<16xf32>
    %swap3A = arith.constant 0 : index
    %swap3A_2 = tpu.vector_load %arg8[%swap3A] {strides = array<i32>} : memref<768xf32, #tpu.memory_space<vmem>>, vector<16xf32>,
    tpu.vector_store %arg8[%swap3A], %broadcast_in_dim3A_1 {strides = array<i32>} : memref<768xf32, #tpu.memory_space<vmem>>, vector<16xf32>,
    %swap3A_3 = arith.constant 16 : index
    %swap3A_4 = tpu.vector_load %arg8[%swap3A_3] {strides = array<i32>} : memref<768xf32, #tpu.memory_space<vmem>>, vector<16xf32>,
    tpu.vector_store %arg8[%swap3A_3], %broadcast_in_dim3A_1 {strides = array<i32>} : memref<768xf32, #tpu.memory_space<vmem>>, vector<16xf32>,
    %swap3A_5 = arith.constant 32 : index
    %swap3A_6 = tpu.vector_load %arg8[%swap3A_5] {strides = array<i32>} : memref<768xf32, #tpu.memory_space<vmem>>, vector<16xf32>,
    tpu.vector_store %arg8[%swap3A_5], %broadcast_in_dim3A_1 {strides = array<i32>} : memref<768xf32, #tpu.memory_space<vmem>>, vector<16xf32>,
    %swap3A_7 = arith.constant 48 : index
    %swap3A_8 = tpu.vector_load %arg8[%swap3A_7] {strides = array<i32>} : memref<768xf32, #tpu.memory_space<vmem>>, vector<16xf32>,
    tpu.vector_store %arg8[%swap3A_7], %broadcast_in_dim3A_1 {strides = array<i32>} : memref<768xf32, #tpu.memory_space<vmem>>, vector<16xf32>,
    %swap3A_9 = arith.constant 64 : index
    %swap3A_10 = tpu.vector_load %arg8[%swap3A_9] {strides = array<i32>} : memref<768xf32, #tpu.memory_space<vmem>>, vector<16xf32>,
    tpu.vector_store %arg8[%swap3A_9], %broadcast_in_dim3A_1 {strides = array<i32>} : memref<768xf32, #tpu.memory_space<vmem>>, vector<16xf32>,
    %swap3A_11 = arith.constant 80 : index
    %swap3A_12 = tpu.vector_load %arg8[%swap3A_11] {strides = array<i32>} : memref<768xf32, #tpu.memory_space<vmem>>, vector<16xf32>,
    tpu.vector_store %arg8[%swap3A_11], %broadcast_in_dim3A_1 {strides = array<i32>} : memref<768xf32, #tpu.memory_space<vmem>>, vector<16xf32>,
    %swap3A_13 = arith.constant 96 : index
    %swap3A_14 = tpu.vector_load %arg8[%swap3A_13] {strides = array<i32>} : memref<768xf32, #tpu.memory_space<vmem>>, vector<16xf32>,
    tpu.vector_store %arg8[%swap3A_13], %broadcast_in_dim3A_1 {strides = array<i32>} : memref<768xf32, #tpu.memory_space<vmem>>, vector<16xf32>,
    %swap3A_15 = arith.constant 112 : index
    %swap3A_16 = tpu.vector_load %arg8[%swap3A_15] {strides = array<i32>} : memref<768xf32, #tpu.memory_space<vmem>>, vector<16xf32>,
    tpu.vector_store %arg8[%swap3A_15], %broadcast_in_dim3A_1 {strides = array<i32>} : memref<768xf32, #tpu.memory_space<vmem>>, vector<16xf32>,
    %swap3A_17 = arith.constant 128 : index
    %swap3A_18 = tpu.vector_load %arg8[%swap3A_17] {strides = array<i32>} : memref<768xf32, #tpu.memory_space<vmem>>, vector<16xf32>,
    tpu.vector_store %arg8[%swap3A_17], %broadcast_in_dim3A_1 {strides = array<i32>} : memref<768xf32, #tpu.memory_space<vmem>>, vector<16xf32>,
    %swap3A_19 = arith.constant 144 : index
    %swap3A_20 = tpu.vector_load %arg8[%swap3A_19] {strides = array<i32>} : memref<768xf32, #tpu.memory_space<vmem>>, vector<16xf32>,
    tpu.vector_store %arg8[%swap3A_19], %broadcast_in_dim3A_1 {strides = array<i32>} : memref<768xf32, #tpu.memory_space<vmem>>, vector<16xf32>,
    %swap3A_21 = arith.constant 160 : index
    %swap3A_22 = tpu.vector_load %arg8[%swap3A_21] {strides = array<i32>} : memref<768xf32, #tpu.memory_space<vmem>>, vector<16xf32>,
    tpu.vector_store %arg8[%swap3A_21], %broadcast_in_dim3A_1 {strides = array<i32>} : memref<768xf32, #tpu.memory_space<vmem>>, vector<16xf32>,
    %swap3A_23 = arith.constant 176 : index
    %swap3A_24 = tpu.vector_load %arg8[%swap3A_23] {strides = array<i32>} : memref<768xf32, #tpu.memory_space<vmem>>, vector<16xf32>,
    tpu.vector_store %arg8[%swap3A_23], %broadcast_in_dim3A_1 {strides = array<i32>} : memref<768xf32, #tpu.memory_space<vmem>>, vector<16xf32>,
    %swap3A_25 = arith.constant 192 : index
    %swap3A_26 = tpu.vector_load %arg8[%swap3A_25] {strides = array<i32>} : memref<768xf32, #tpu.memory_space<vmem>>, vector<16xf32>,
    tpu.vector_store %arg8[%swap3A_25], %broadcast_in_dim3A_1 {strides = array<i32>} : memref<768xf32, #tpu.memory_space<vmem>>, vector<16xf32>,
    %swap3A_27 = arith.constant 208 : index
    %swap3A_28 = tpu.vector_load %arg8[%swap3A_27] {strides = array<i32>} : memref<768xf32, #tpu.memory_space<vmem>>, vector<16xf32>,
    tpu.vector_store %arg8[%swap3A_27], %broadcast_in_dim3A_1 {strides = array<i32>} : memref<768xf32, #tpu.memory_space<vmem>>, vector<16xf32>,
    %swap3A_29 = arith.constant 224 : index
    %swap3A_30 = tpu.vector_load %arg8[%swap3A_29] {strides = array<i32>} : memref<768xf32, #tpu.memory_space<vmem>>, vector<16xf32>,
    tpu.vector_store %arg8[%swap3A_29], %broadcast_in_dim3A_1 {strides = array<i32>} : memref<768xf32, #tpu.memory_space<vmem>>, vector<16xf32>,
    %swap3A_31 = arith.constant 240 : index
    %swap3A_32 = tpu.vector_load %arg8[%swap3A_31] {strides = array<i32>} : memref<768xf32, #tpu.memory_space<vmem>>, vector<16xf32>,
    tpu.vector_store %arg8[%swap3A_31], %broadcast_in_dim3A_1 {strides = array<i32>} : memref<768xf32, #tpu.memory_space<vmem>>, vector<16xf32>,
    %swap3A_33 = arith.constant 256 : index
    %swap3A_34 = tpu.vector_load %arg8[%swap3A_33] {strides = array<i32>} : memref<768xf32, #tpu.memory_space<vmem>>, vector<16xf32>,
    tpu.vector_store %arg8[%swap3A_33], %broadcast_in_dim3A_1 {strides = array<i32>} : memref<768xf32, #tpu.memory_space<vmem>>, vector<16xf32>,
    %swap3A_35 = arith.constant 272 : index
    %swap3A_36 = tpu.vector_load %arg8[%swap3A_35] {strides = array<i32>} : memref<768xf32, #tpu.memory_space<vmem>>, vector<16xf32>,
    tpu.vector_store %arg8[%swap3A_35], %broadcast_in_dim3A_1 {strides = array<i32>} : memref<768xf32, #tpu.memory_space<vmem>>, vector<16xf32>,
    %swap3A_37 = arith.constant 288 : index
    %swap3A_38 = tpu.vector_load %arg8[%swap3A_37] {strides = array<i32>} : memref<768xf32, #tpu.memory_space<vmem>>, vector<16xf32>,
    tpu.vector_store %arg8[%swap3A_37], %broadcast_in_dim3A_1 {strides = array<i32>} : memref<768xf32, #tpu.memory_space<vmem>>, vector<16xf32>,
    %swap3A_39 = arith.constant 304 : index
    %swap3A_40 = tpu.vector_load %arg8[%swap3A_39] {strides = array<i32>} : memref<768xf32, #tpu.memory_space<vmem>>, vector<16xf32>,
    tpu.vector_store %arg8[%swap3A_39], %broadcast_in_dim3A_1 {strides = array<i32>} : memref<768xf32, #tpu.memory_space<vmem>>, vector<16xf32>,
    %swap3A_41 = arith.constant 320 : index
    %swap3A_42 = tpu.vector_load %arg8[%swap3A_41] {strides = array<i32>} : memref<768xf32, #tpu.memory_space<vmem>>, vector<16xf32>,
    tpu.vector_store %arg8[%swap3A_41], %broadcast_in_dim3A_1 {strides = array<i32>} : memref<768xf32, #tpu.memory_space<vmem>>, vector<16xf32>,
    %swap3A_43 = arith.constant 336 : index
    %swap3A_44 = tpu.vector_load %arg8[%swap3A_43] {strides = array<i32>} : memref<768xf32, #tpu.memory_space<vmem>>, vector<16xf32>,
    tpu.vector_store %arg8[%swap3A_43], %broadcast_in_dim3A_1 {strides = array<i32>} : memref<768xf32, #tpu.memory_space<vmem>>, vector<16xf32>,
    %swap3A_45 = arith.constant 352 : index
    %swap3A_46 = tpu.vector_load %arg8[%swap3A_45] {strides = array<i32>} : memref<768xf32, #tpu.memory_space<vmem>>, vector<16xf32>,
    tpu.vector_store %arg8[%swap3A_45], %broadcast_in_dim3A_1 {strides = array<i32>} : memref<768xf32, #tpu.memory_space<vmem>>, vector<16xf32>,
    %swap3A_47 = arith.constant 368 : index
    %swap3A_48 = tpu.vector_load %arg8[%swap3A_47] {strides = array<i32>} : memref<768xf32, #tpu.memory_space<vmem>>, vector<16xf32>,
    tpu.vector_store %arg8[%swap3A_47], %broadcast_in_dim3A_1 {strides = array<i32>} : memref<768xf32, #tpu.memory_space<vmem>>, vector<16xf32>,
    %swap3A_49 = arith.constant 384 : index
    %swap3A_50 = tpu.vector_load %arg8[%swap3A_49] {strides = array<i32>} : memref<768xf32, #tpu.memory_space<vmem>>, vector<16xf32>,
    tpu.vector_store %arg8[%swap3A_49], %broadcast_in_dim3A_1 {strides = array<i32>} : memref<768xf32, #tpu.memory_space<vmem>>, vector<16xf32>,
    %swap3A_51 = arith.constant 400 : index
    %swap3A_52 = tpu.vector_load %arg8[%swap3A_51] {strides = array<i32>} : memref<768xf32, #tpu.memory_space<vmem>>, vector<16xf32>,
    tpu.vector_store %arg8[%swap3A_51], %broadcast_in_dim3A_1 {strides = array<i32>} : memref<768xf32, #tpu.memory_space<vmem>>, vector<16xf32>,
    %swap3A_53 = arith.constant 416 : index
    %swap3A_54 = tpu.vector_load %arg8[%swap3A_53] {strides = array<i32>} : memref<768xf32, #tpu.memory_space<vmem>>, vector<16xf32>,
    tpu.vector_store %arg8[%swap3A_53], %broadcast_in_dim3A_1 {strides = array<i32>} : memref<768xf32, #tpu.memory_space<vmem>>, vector<16xf32>,
    %swap3A_55 = arith.constant 432 : index
    %swap3A_56 = tpu.vector_load %arg8[%swap3A_55] {strides = array<i32>} : memref<768xf32, #tpu.memory_space<vmem>>, vector<16xf32>,
    tpu.vector_store %arg8[%swap3A_55], %broadcast_in_dim3A_1 {strides = array<i32>} : memref<768xf32, #tpu.memory_space<vmem>>, vector<16xf32>,
    %swap3A_57 = arith.constant 448 : index
    %swap3A_58 = tpu.vector_load %arg8[%swap3A_57] {strides = array<i32>} : memref<768xf32, #tpu.memory_space<vmem>>, vector<16xf32>,
    tpu.vector_store %arg8[%swap3A_57], %broadcast_in_dim3A_1 {strides = array<i32>} : memref<768xf32, #tpu.memory_space<vmem>>, vector<16xf32>,
    %swap3A_59 = arith.constant 464 : index
    %swap3A_60 = tpu.vector_load %arg8[%swap3A_59] {strides = array<i32>} : memref<768xf32, #tpu.memory_space<vmem>>, vector<16xf32>,
    tpu.vector_store %arg8[%swap3A_59], %broadcast_in_dim3A_1 {strides = array<i32>} : memref<768xf32, #tpu.memory_space<vmem>>, vector<16xf32>,
    %swap3A_61 = arith.constant 480 : index
    %swap3A_62 = tpu.vector_load %arg8[%swap3A_61] {strides = array<i32>} : memref<768xf32, #tpu.memory_space<vmem>>, vector<16xf32>,
    tpu.vector_store %arg8[%swap3A_61], %broadcast_in_dim3A_1 {strides = array<i32>} : memref<768xf32, #tpu.memory_space<vmem>>, vector<16xf32>,
    %swap3A_63 = arith.constant 496 : index
    %swap3A_64 = tpu.vector_load %arg8[%swap3A_63] {strides = array<i32>} : memref<768xf32, #tpu.memory_space<vmem>>, vector<16xf32>,
    tpu.vector_store %arg8[%swap3A_63], %broadcast_in_dim3A_1 {strides = array<i32>} : memref<768xf32, #tpu.memory_space<vmem>>, vector<16xf32>,
    %swap3A_65 = arith.constant 512 : index
    %swap3A_66 = tpu.vector_load %arg8[%swap3A_65] {strides = array<i32>} : memref<768xf32, #tpu.memory_space<vmem>>, vector<16xf32>,
    tpu.vector_store %arg8[%swap3A_65], %broadcast_in_dim3A_1 {strides = array<i32>} : memref<768xf32, #tpu.memory_space<vmem>>, vector<16xf32>,
    %swap3A_67 = arith.constant 528 : index
    %swap3A_68 = tpu.vector_load %arg8[%swap3A_67] {strides = array<i32>} : memref<768xf32, #tpu.memory_space<vmem>>, vector<16xf32>,
    tpu.vector_store %arg8[%swap3A_67], %broadcast_in_dim3A_1 {strides = array<i32>} : memref<768xf32, #tpu.memory_space<vmem>>, vector<16xf32>,
    %swap3A_69 = arith.constant 544 : index
    %swap3A_70 = tpu.vector_load %arg8[%swap3A_69] {strides = array<i32>} : memref<768xf32, #tpu.memory_space<vmem>>, vector<16xf32>,
    tpu.vector_store %arg8[%swap3A_69], %broadcast_in_dim3A_1 {strides = array<i32>} : memref<768xf32, #tpu.memory_space<vmem>>, vector<16xf32>,
    %swap3A_71 = arith.constant 560 : index
    %swap3A_72 = tpu.vector_load %arg8[%swap3A_71] {strides = array<i32>} : memref<768xf32, #tpu.memory_space<vmem>>, vector<16xf32>,
    tpu.vector_store %arg8[%swap3A_71], %broadcast_in_dim3A_1 {strides = array<i32>} : memref<768xf32, #tpu.memory_space<vmem>>, vector<16xf32>,
    %swap3A_73 = arith.constant 576 : index
    %swap3A_74 = tpu.vector_load %arg8[%swap3A_73] {strides = array<i32>} : memref<768xf32, #tpu.memory_space<vmem>>, vector<16xf32>,
    tpu.vector_store %arg8[%swap3A_73], %broadcast_in_dim3A_1 {strides = array<i32>} : memref<768xf32, #tpu.memory_space<vmem>>, vector<16xf32>,
    %swap3A_75 = arith.constant 592 : index
    %swap3A_76 = tpu.vector_load %arg8[%swap3A_75] {strides = array<i32>} : memref<768xf32, #tpu.memory_space<vmem>>, vector<16xf32>,
    tpu.vector_store %arg8[%swap3A_75], %broadcast_in_dim3A_1 {strides = array<i32>} : memref<768xf32, #tpu.memory_space<vmem>>, vector<16xf32>,
    %swap3A_77 = arith.constant 608 : index
    %swap3A_78 = tpu.vector_load %arg8[%swap3A_77] {strides = array<i32>} : memref<768xf32, #tpu.memory_space<vmem>>, vector<16xf32>,
    tpu.vector_store %arg8[%swap3A_77], %broadcast_in_dim3A_1 {strides = array<i32>} : memref<768xf32, #tpu.memory_space<vmem>>, vector<16xf32>,
    %swap3A_79 = arith.constant 624 : index
    %swap3A_80 = tpu.vector_load %arg8[%swap3A_79] {strides = array<i32>} : memref<768xf32, #tpu.memory_space<vmem>>, vector<16xf32>,
    tpu.vector_store %arg8[%swap3A_79], %broadcast_in_dim3A_1 {strides = array<i32>} : memref<768xf32, #tpu.memory_space<vmem>>, vector<16xf32>,
    %swap3A_81 = arith.constant 640 : index
    %swap3A_82 = tpu.vector_load %arg8[%swap3A_81] {strides = array<i32>} : memref<768xf32, #tpu.memory_space<vmem>>, vector<16xf32>,
    tpu.vector_store %arg8[%swap3A_81], %broadcast_in_dim3A_1 {strides = array<i32>} : memref<768xf32, #tpu.memory_space<vmem>>, vector<16xf32>,
    %swap3A_83 = arith.constant 656 : index
    %swap3A_84 = tpu.vector_load %arg8[%swap3A_83] {strides = array<i32>} : memref<768xf32, #tpu.memory_space<vmem>>, vector<16xf32>,
    tpu.vector_store %arg8[%swap3A_83], %broadcast_in_dim3A_1 {strides = array<i32>} : memref<768xf32, #tpu.memory_space<vmem>>, vector<16xf32>,
    %swap3A_85 = arith.constant 672 : index
    %swap3A_86 = tpu.vector_load %arg8[%swap3A_85] {strides = array<i32>} : memref<768xf32, #tpu.memory_space<vmem>>, vector<16xf32>,
    tpu.vector_store %arg8[%swap3A_85], %broadcast_in_dim3A_1 {strides = array<i32>} : memref<768xf32, #tpu.memory_space<vmem>>, vector<16xf32>,
    %swap3A_87 = arith.constant 688 : index
    %swap3A_88 = tpu.vector_load %arg8[%swap3A_87] {strides = array<i32>} : memref<768xf32, #tpu.memory_space<vmem>>, vector<16xf32>,
    tpu.vector_store %arg8[%swap3A_87], %broadcast_in_dim3A_1 {strides = array<i32>} : memref<768xf32, #tpu.memory_space<vmem>>, vector<16xf32>,
    %swap3A_89 = arith.constant 704 : index
    %swap3A_90 = tpu.vector_load %arg8[%swap3A_89] {strides = array<i32>} : memref<768xf32, #tpu.memory_space<vmem>>, vector<16xf32>,
    tpu.vector_store %arg8[%swap3A_89], %broadcast_in_dim3A_1 {strides = array<i32>} : memref<768xf32, #tpu.memory_space<vmem>>, vector<16xf32>,
    %swap3A_91 = arith.constant 720 : index
    %swap3A_92 = tpu.vector_load %arg8[%swap3A_91] {strides = array<i32>} : memref<768xf32, #tpu.memory_space<vmem>>, vector<16xf32>,
    tpu.vector_store %arg8[%swap3A_91], %broadcast_in_dim3A_1 {strides = array<i32>} : memref<768xf32, #tpu.memory_space<vmem>>, vector<16xf32>,
    %swap3A_93 = arith.constant 736 : index
    %swap3A_94 = tpu.vector_load %arg8[%swap3A_93] {strides = array<i32>} : memref<768xf32, #tpu.memory_space<vmem>>, vector<16xf32>,
    tpu.vector_store %arg8[%swap3A_93], %broadcast_in_dim3A_1 {strides = array<i32>} : memref<768xf32, #tpu.memory_space<vmem>>, vector<16xf32>,
    %swap3A_95 = arith.constant 752 : index
    %swap3A_96 = tpu.vector_load %arg8[%swap3A_95] {strides = array<i32>} : memref<768xf32, #tpu.memory_space<vmem>>, vector<16xf32>,
    tpu.vector_store %arg8[%swap3A_95], %broadcast_in_dim3A_1 {strides = array<i32>} : memref<768xf32, #tpu.memory_space<vmem>>, vector<16xf32>,
    %iota3A = tpu.iota {dimensions = array<i32: 0>} : vector<16xi32>
    %mul3A_97 = arith.constant 16 : i32
    %mul3A_98 = vector.broadcast %mul3A_97 : i32 to vector<16xi32>
    %mul3A_99 = arith.muli %iota3A, %mul3A_98 : vector<16xi32>
    %iota3A_100 = tpu.iota {dimensions = array<i32: 0>} : vector<16xi32>
    %broadcast_in_dim3A_101 = arith.constant 1.000000e+00 : f32
    %broadcast_in_dim3A_102 = vector.broadcast %broadcast_in_dim3A_101 : f32 to vector<16xf32>
    %sub3A = arith.constant 82208 : i32
    %sub3A_103 = arith.subi %sub3A, %mul3A_0 : i32
    %jit3A = arith.constant 16 : i32
    %div3A = arith.divsi %sub3A_103, %jit3A : i32
    %sign3A = arith.constant 0 : i32
    %sign3A_104 = arith.cmpi sgt, %sub3A_103, %sign3A : i32
    %sign3A_105 = arith.extui %sign3A_104 : i1 to i32
    %sign3A_106 = arith.constant 0 : i32
    %sign3A_107 = arith.cmpi slt, %sub3A_103, %sign3A_106 : i32
    %sign3A_108 = arith.extui %sign3A_107 : i1 to i32
    %sign3A_109 = arith.subi %sign3A_105, %sign3A_108 : i32
    %sign3A_110 = arith.constant 0 : i32
    %sign3A_111 = arith.cmpi sgt, %jit3A, %sign3A_110 : i32
    %sign3A_112 = arith.extui %sign3A_111 : i1 to i32
    %sign3A_113 = arith.constant 0 : i32
    %sign3A_114 = arith.cmpi slt, %jit3A, %sign3A_113 : i32
    %sign3A_115 = arith.extui %sign3A_114 : i1 to i32
    %sign3A_116 = arith.subi %sign3A_112, %sign3A_115 : i32
    %ne3A = arith.cmpi ne, %sign3A_109, %sign3A_116 : i32
    %rem3A = arith.remsi %sub3A_103, %jit3A : i32
    %ne3A_117 = arith.constant 0 : i32
    %ne3A_118 = arith.cmpi ne, %rem3A, %ne3A_117 : i32
    %and3A = arith.andi %ne3A, %ne3A_118 : i1
    %sub3A_119 = arith.constant 1 : i32
    %sub3A_120 = arith.subi %div3A, %sub3A_119 : i32
    %select_n3A = arith.select %and3A, %sub3A_120, %div3A : i32
    %jit3A_121 = arith.constant 0 : i32
    %jit3A_122 = arith.constant 336 : i32
    %max3A = arith.maxsi %jit3A_121, %select_n3A : i32
    %min3A = arith.minsi %jit3A_122, %max3A : i32
    %parallel_loop3A = arith.constant 0 : i32
    %parallel_loop3A_123 = arith.constant 1 : i32
    scf.for %parallel_loop3A_275 = %parallel_loop3A to %min3A step %parallel_loop3A_123  : i32 {
      %parallel_loop3A_276 = arith.constant 16 : i32
      %parallel_loop3A_277 = arith.muli %parallel_loop3A_275, %parallel_loop3A_276 : i32
      %parallel_loop3A_278 = arith.index_cast %parallel_loop3A_277 : i32 to index
      %parallel_loop3A_279 = tpu.vector_load %arg6[%parallel_loop3A_278] {strides = array<i32>} : memref<5376xf32, #tpu.memory_space<vmem>>, vector<16xf32>,
      %parallel_loop3A_280 = arith.index_cast %parallel_loop3A_277 : i32 to index
      %parallel_loop3A_281 = tpu.vector_load %arg7[%parallel_loop3A_280] {strides = array<i32>} : memref<5376xf32, #tpu.memory_space<vmem>>, vector<16xf32>,
      %parallel_loop3A_282 = arith.constant 1.500000e+01 : f32
      %parallel_loop3A_283 = vector.broadcast %parallel_loop3A_282 : f32 to vector<16xf32>
      %parallel_loop3A_284 = arith.mulf %parallel_loop3A_279, %parallel_loop3A_283 : vector<16xf32>
      %parallel_loop3A_285 = arith.fptosi %parallel_loop3A_284 : vector<16xf32> to vector<16xi32>
      %parallel_loop3A_286 = arith.constant 14 : i32
      %parallel_loop3A_287 = vector.broadcast %parallel_loop3A_286 : i32 to vector<16xi32>
      %parallel_loop3A_288 = arith.minsi %parallel_loop3A_285, %parallel_loop3A_287 : vector<16xi32>
      %parallel_loop3A_289 = arith.addi %mul3A_99, %parallel_loop3A_288 : vector<16xi32>
      tpu.vector_store_idx %arg8[%parallel_loop3A_289], %broadcast_in_dim3A_102 {add = true} : memref<768xf32, #tpu.memory_space<vmem>>[vector<16xi32>], vector<16xf32>,
      %parallel_loop3A_290 = arith.constant 256 : i32
      %parallel_loop3A_291 = vector.broadcast %parallel_loop3A_290 : i32 to vector<16xi32>
      %parallel_loop3A_292 = arith.addi %parallel_loop3A_289, %parallel_loop3A_291 : vector<16xi32>
      tpu.vector_store_idx %arg8[%parallel_loop3A_292], %parallel_loop3A_279 {add = true} : memref<768xf32, #tpu.memory_space<vmem>>[vector<16xi32>], vector<16xf32>,
      %parallel_loop3A_293 = arith.constant 512 : i32
      %parallel_loop3A_294 = vector.broadcast %parallel_loop3A_293 : i32 to vector<16xi32>
      %parallel_loop3A_295 = arith.addi %parallel_loop3A_289, %parallel_loop3A_294 : vector<16xi32>
      tpu.vector_store_idx %arg8[%parallel_loop3A_295], %parallel_loop3A_281 {add = true} : memref<768xf32, #tpu.memory_space<vmem>>[vector<16xi32>], vector<16xf32>,
    } {sc.loop_unroll_factor = 4 : i64, sc.parallel_access}
    %get3A = arith.constant 0 : index
    %get3A_124 = tpu.vector_load %arg8[%get3A] {strides = array<i32>} : memref<768xf32, #tpu.memory_space<vmem>>, vector<16xf32>,
    %get3A_125 = arith.constant 16 : index
    %get3A_126 = tpu.vector_load %arg8[%get3A_125] {strides = array<i32>} : memref<768xf32, #tpu.memory_space<vmem>>, vector<16xf32>,
    %add3A = arith.addf %get3A_124, %get3A_126 : vector<16xf32>
    %get3A_127 = arith.constant 32 : index
    %get3A_128 = tpu.vector_load %arg8[%get3A_127] {strides = array<i32>} : memref<768xf32, #tpu.memory_space<vmem>>, vector<16xf32>,
    %add3A_129 = arith.addf %add3A, %get3A_128 : vector<16xf32>
    %get3A_130 = arith.constant 48 : index
    %get3A_131 = tpu.vector_load %arg8[%get3A_130] {strides = array<i32>} : memref<768xf32, #tpu.memory_space<vmem>>, vector<16xf32>,
    %add3A_132 = arith.addf %add3A_129, %get3A_131 : vector<16xf32>
    %get3A_133 = arith.constant 64 : index
    %get3A_134 = tpu.vector_load %arg8[%get3A_133] {strides = array<i32>} : memref<768xf32, #tpu.memory_space<vmem>>, vector<16xf32>,
    %add3A_135 = arith.addf %add3A_132, %get3A_134 : vector<16xf32>
    %get3A_136 = arith.constant 80 : index
    %get3A_137 = tpu.vector_load %arg8[%get3A_136] {strides = array<i32>} : memref<768xf32, #tpu.memory_space<vmem>>, vector<16xf32>,
    %add3A_138 = arith.addf %add3A_135, %get3A_137 : vector<16xf32>
    %get3A_139 = arith.constant 96 : index
    %get3A_140 = tpu.vector_load %arg8[%get3A_139] {strides = array<i32>} : memref<768xf32, #tpu.memory_space<vmem>>, vector<16xf32>,
    %add3A_141 = arith.addf %add3A_138, %get3A_140 : vector<16xf32>
    %get3A_142 = arith.constant 112 : index
    %get3A_143 = tpu.vector_load %arg8[%get3A_142] {strides = array<i32>} : memref<768xf32, #tpu.memory_space<vmem>>, vector<16xf32>,
    %add3A_144 = arith.addf %add3A_141, %get3A_143 : vector<16xf32>
    %get3A_145 = arith.constant 128 : index
    %get3A_146 = tpu.vector_load %arg8[%get3A_145] {strides = array<i32>} : memref<768xf32, #tpu.memory_space<vmem>>, vector<16xf32>,
    %add3A_147 = arith.addf %add3A_144, %get3A_146 : vector<16xf32>
    %get3A_148 = arith.constant 144 : index
    %get3A_149 = tpu.vector_load %arg8[%get3A_148] {strides = array<i32>} : memref<768xf32, #tpu.memory_space<vmem>>, vector<16xf32>,
    %add3A_150 = arith.addf %add3A_147, %get3A_149 : vector<16xf32>
    %get3A_151 = arith.constant 160 : index
    %get3A_152 = tpu.vector_load %arg8[%get3A_151] {strides = array<i32>} : memref<768xf32, #tpu.memory_space<vmem>>, vector<16xf32>,
    %add3A_153 = arith.addf %add3A_150, %get3A_152 : vector<16xf32>
    %get3A_154 = arith.constant 176 : index
    %get3A_155 = tpu.vector_load %arg8[%get3A_154] {strides = array<i32>} : memref<768xf32, #tpu.memory_space<vmem>>, vector<16xf32>,
    %add3A_156 = arith.addf %add3A_153, %get3A_155 : vector<16xf32>
    %get3A_157 = arith.constant 192 : index
    %get3A_158 = tpu.vector_load %arg8[%get3A_157] {strides = array<i32>} : memref<768xf32, #tpu.memory_space<vmem>>, vector<16xf32>,
    %add3A_159 = arith.addf %add3A_156, %get3A_158 : vector<16xf32>
    %get3A_160 = arith.constant 208 : index
    %get3A_161 = tpu.vector_load %arg8[%get3A_160] {strides = array<i32>} : memref<768xf32, #tpu.memory_space<vmem>>, vector<16xf32>,
    %add3A_162 = arith.addf %add3A_159, %get3A_161 : vector<16xf32>
    %get3A_163 = arith.constant 224 : index
    %get3A_164 = tpu.vector_load %arg8[%get3A_163] {strides = array<i32>} : memref<768xf32, #tpu.memory_space<vmem>>, vector<16xf32>,
    %add3A_165 = arith.addf %add3A_162, %get3A_164 : vector<16xf32>
    %get3A_166 = arith.constant 240 : index
    %get3A_167 = tpu.vector_load %arg8[%get3A_166] {strides = array<i32>} : memref<768xf32, #tpu.memory_space<vmem>>, vector<16xf32>,
    %add3A_168 = arith.addf %add3A_165, %get3A_167 : vector<16xf32>
    %swap3A_169 = arith.constant 0 : index
    %swap3A_170 = tpu.vector_load %arg9[%swap3A_169] {strides = array<i32>} : memref<64xf32, #tpu.memory_space<vmem>>, vector<16xf32>,
    tpu.vector_store %arg9[%swap3A_169], %add3A_168 {strides = array<i32>} : memref<64xf32, #tpu.memory_space<vmem>>, vector<16xf32>,
    %get3A_171 = arith.constant 256 : index
    %get3A_172 = tpu.vector_load %arg8[%get3A_171] {strides = array<i32>} : memref<768xf32, #tpu.memory_space<vmem>>, vector<16xf32>,
    %get3A_173 = arith.constant 272 : index
    %get3A_174 = tpu.vector_load %arg8[%get3A_173] {strides = array<i32>} : memref<768xf32, #tpu.memory_space<vmem>>, vector<16xf32>,
    %add3A_175 = arith.addf %get3A_172, %get3A_174 : vector<16xf32>
    %get3A_176 = arith.constant 288 : index
    %get3A_177 = tpu.vector_load %arg8[%get3A_176] {strides = array<i32>} : memref<768xf32, #tpu.memory_space<vmem>>, vector<16xf32>,
    %add3A_178 = arith.addf %add3A_175, %get3A_177 : vector<16xf32>
    %get3A_179 = arith.constant 304 : index
    %get3A_180 = tpu.vector_load %arg8[%get3A_179] {strides = array<i32>} : memref<768xf32, #tpu.memory_space<vmem>>, vector<16xf32>,
    %add3A_181 = arith.addf %add3A_178, %get3A_180 : vector<16xf32>
    %get3A_182 = arith.constant 320 : index
    %get3A_183 = tpu.vector_load %arg8[%get3A_182] {strides = array<i32>} : memref<768xf32, #tpu.memory_space<vmem>>, vector<16xf32>,
    %add3A_184 = arith.addf %add3A_181, %get3A_183 : vector<16xf32>
    %get3A_185 = arith.constant 336 : index
    %get3A_186 = tpu.vector_load %arg8[%get3A_185] {strides = array<i32>} : memref<768xf32, #tpu.memory_space<vmem>>, vector<16xf32>,
    %add3A_187 = arith.addf %add3A_184, %get3A_186 : vector<16xf32>
    %get3A_188 = arith.constant 352 : index
    %get3A_189 = tpu.vector_load %arg8[%get3A_188] {strides = array<i32>} : memref<768xf32, #tpu.memory_space<vmem>>, vector<16xf32>,
    %add3A_190 = arith.addf %add3A_187, %get3A_189 : vector<16xf32>
    %get3A_191 = arith.constant 368 : index
    %get3A_192 = tpu.vector_load %arg8[%get3A_191] {strides = array<i32>} : memref<768xf32, #tpu.memory_space<vmem>>, vector<16xf32>,
    %add3A_193 = arith.addf %add3A_190, %get3A_192 : vector<16xf32>
    %get3A_194 = arith.constant 384 : index
    %get3A_195 = tpu.vector_load %arg8[%get3A_194] {strides = array<i32>} : memref<768xf32, #tpu.memory_space<vmem>>, vector<16xf32>,
    %add3A_196 = arith.addf %add3A_193, %get3A_195 : vector<16xf32>
    %get3A_197 = arith.constant 400 : index
    %get3A_198 = tpu.vector_load %arg8[%get3A_197] {strides = array<i32>} : memref<768xf32, #tpu.memory_space<vmem>>, vector<16xf32>,
    %add3A_199 = arith.addf %add3A_196, %get3A_198 : vector<16xf32>
    %get3A_200 = arith.constant 416 : index
    %get3A_201 = tpu.vector_load %arg8[%get3A_200] {strides = array<i32>} : memref<768xf32, #tpu.memory_space<vmem>>, vector<16xf32>,
    %add3A_202 = arith.addf %add3A_199, %get3A_201 : vector<16xf32>
    %get3A_203 = arith.constant 432 : index
    %get3A_204 = tpu.vector_load %arg8[%get3A_203] {strides = array<i32>} : memref<768xf32, #tpu.memory_space<vmem>>, vector<16xf32>,
    %add3A_205 = arith.addf %add3A_202, %get3A_204 : vector<16xf32>
    %get3A_206 = arith.constant 448 : index
    %get3A_207 = tpu.vector_load %arg8[%get3A_206] {strides = array<i32>} : memref<768xf32, #tpu.memory_space<vmem>>, vector<16xf32>,
    %add3A_208 = arith.addf %add3A_205, %get3A_207 : vector<16xf32>
    %get3A_209 = arith.constant 464 : index
    %get3A_210 = tpu.vector_load %arg8[%get3A_209] {strides = array<i32>} : memref<768xf32, #tpu.memory_space<vmem>>, vector<16xf32>,
    %add3A_211 = arith.addf %add3A_208, %get3A_210 : vector<16xf32>
    %get3A_212 = arith.constant 480 : index
    %get3A_213 = tpu.vector_load %arg8[%get3A_212] {strides = array<i32>} : memref<768xf32, #tpu.memory_space<vmem>>, vector<16xf32>,
    %add3A_214 = arith.addf %add3A_211, %get3A_213 : vector<16xf32>
    %get3A_215 = arith.constant 496 : index
    %get3A_216 = tpu.vector_load %arg8[%get3A_215] {strides = array<i32>} : memref<768xf32, #tpu.memory_space<vmem>>, vector<16xf32>,
    %add3A_217 = arith.addf %add3A_214, %get3A_216 : vector<16xf32>
    %swap3A_218 = arith.constant 16 : index
    %swap3A_219 = tpu.vector_load %arg9[%swap3A_218] {strides = array<i32>} : memref<64xf32, #tpu.memory_space<vmem>>, vector<16xf32>,
    tpu.vector_store %arg9[%swap3A_218], %add3A_217 {strides = array<i32>} : memref<64xf32, #tpu.memory_space<vmem>>, vector<16xf32>,
    %get3A_220 = arith.constant 512 : index
    %get3A_221 = tpu.vector_load %arg8[%get3A_220] {strides = array<i32>} : memref<768xf32, #tpu.memory_space<vmem>>, vector<16xf32>,
    %get3A_222 = arith.constant 528 : index
    %get3A_223 = tpu.vector_load %arg8[%get3A_222] {strides = array<i32>} : memref<768xf32, #tpu.memory_space<vmem>>, vector<16xf32>,
    %add3A_224 = arith.addf %get3A_221, %get3A_223 : vector<16xf32>
    %get3A_225 = arith.constant 544 : index
    %get3A_226 = tpu.vector_load %arg8[%get3A_225] {strides = array<i32>} : memref<768xf32, #tpu.memory_space<vmem>>, vector<16xf32>,
    %add3A_227 = arith.addf %add3A_224, %get3A_226 : vector<16xf32>
    %get3A_228 = arith.constant 560 : index
    %get3A_229 = tpu.vector_load %arg8[%get3A_228] {strides = array<i32>} : memref<768xf32, #tpu.memory_space<vmem>>, vector<16xf32>,
    %add3A_230 = arith.addf %add3A_227, %get3A_229 : vector<16xf32>
    %get3A_231 = arith.constant 576 : index
    %get3A_232 = tpu.vector_load %arg8[%get3A_231] {strides = array<i32>} : memref<768xf32, #tpu.memory_space<vmem>>, vector<16xf32>,
    %add3A_233 = arith.addf %add3A_230, %get3A_232 : vector<16xf32>
    %get3A_234 = arith.constant 592 : index
    %get3A_235 = tpu.vector_load %arg8[%get3A_234] {strides = array<i32>} : memref<768xf32, #tpu.memory_space<vmem>>, vector<16xf32>,
    %add3A_236 = arith.addf %add3A_233, %get3A_235 : vector<16xf32>
    %get3A_237 = arith.constant 608 : index
    %get3A_238 = tpu.vector_load %arg8[%get3A_237] {strides = array<i32>} : memref<768xf32, #tpu.memory_space<vmem>>, vector<16xf32>,
    %add3A_239 = arith.addf %add3A_236, %get3A_238 : vector<16xf32>
    %get3A_240 = arith.constant 624 : index
    %get3A_241 = tpu.vector_load %arg8[%get3A_240] {strides = array<i32>} : memref<768xf32, #tpu.memory_space<vmem>>, vector<16xf32>,
    %add3A_242 = arith.addf %add3A_239, %get3A_241 : vector<16xf32>
    %get3A_243 = arith.constant 640 : index
    %get3A_244 = tpu.vector_load %arg8[%get3A_243] {strides = array<i32>} : memref<768xf32, #tpu.memory_space<vmem>>, vector<16xf32>,
    %add3A_245 = arith.addf %add3A_242, %get3A_244 : vector<16xf32>
    %get3A_246 = arith.constant 656 : index
    %get3A_247 = tpu.vector_load %arg8[%get3A_246] {strides = array<i32>} : memref<768xf32, #tpu.memory_space<vmem>>, vector<16xf32>,
    %add3A_248 = arith.addf %add3A_245, %get3A_247 : vector<16xf32>
    %get3A_249 = arith.constant 672 : index
    %get3A_250 = tpu.vector_load %arg8[%get3A_249] {strides = array<i32>} : memref<768xf32, #tpu.memory_space<vmem>>, vector<16xf32>,
    %add3A_251 = arith.addf %add3A_248, %get3A_250 : vector<16xf32>
    %get3A_252 = arith.constant 688 : index
    %get3A_253 = tpu.vector_load %arg8[%get3A_252] {strides = array<i32>} : memref<768xf32, #tpu.memory_space<vmem>>, vector<16xf32>,
    %add3A_254 = arith.addf %add3A_251, %get3A_253 : vector<16xf32>
    %get3A_255 = arith.constant 704 : index
    %get3A_256 = tpu.vector_load %arg8[%get3A_255] {strides = array<i32>} : memref<768xf32, #tpu.memory_space<vmem>>, vector<16xf32>,
    %add3A_257 = arith.addf %add3A_254, %get3A_256 : vector<16xf32>
    %get3A_258 = arith.constant 720 : index
    %get3A_259 = tpu.vector_load %arg8[%get3A_258] {strides = array<i32>} : memref<768xf32, #tpu.memory_space<vmem>>, vector<16xf32>,
    %add3A_260 = arith.addf %add3A_257, %get3A_259 : vector<16xf32>
    %get3A_261 = arith.constant 736 : index
    %get3A_262 = tpu.vector_load %arg8[%get3A_261] {strides = array<i32>} : memref<768xf32, #tpu.memory_space<vmem>>, vector<16xf32>,
    %add3A_263 = arith.addf %add3A_260, %get3A_262 : vector<16xf32>
    %get3A_264 = arith.constant 752 : index
    %get3A_265 = tpu.vector_load %arg8[%get3A_264] {strides = array<i32>} : memref<768xf32, #tpu.memory_space<vmem>>, vector<16xf32>,
    %add3A_266 = arith.addf %add3A_263, %get3A_265 : vector<16xf32>
    %swap3A_267 = arith.constant 32 : index
    %swap3A_268 = tpu.vector_load %arg9[%swap3A_267] {strides = array<i32>} : memref<64xf32, #tpu.memory_space<vmem>>, vector<16xf32>,
    tpu.vector_store %arg9[%swap3A_267], %add3A_266 {strides = array<i32>} : memref<64xf32, #tpu.memory_space<vmem>>, vector<16xf32>,
    %swap3A_269 = arith.constant 48 : index
    %swap3A_270 = tpu.vector_load %arg9[%swap3A_269] {strides = array<i32>} : memref<64xf32, #tpu.memory_space<vmem>>, vector<16xf32>,
    tpu.vector_store %arg9[%swap3A_269], %broadcast_in_dim3A_1 {strides = array<i32>} : memref<64xf32, #tpu.memory_space<vmem>>, vector<16xf32>,
    %mul3A_271 = arith.constant 64 : i32
    %mul3A_272 = arith.muli %arg1, %mul3A_271 : i32
    "tpu.region"() ({
      %run_scoped3A = tpu.sem_alloc : memref<!tpu.dma_semaphore, #tpu.memory_space<semaphore_mem>>
      %dma_start3A = tpu.memref_slice %arg10[%mul3A_272] : memref<1024xf32, #tpu.memory_space<vmem_shared>> -> memref<64xf32, #tpu.memory_space<vmem_shared>>
      %dma_start3A_275 = tpu.memref_slice %arg10[%mul3A_272] : memref<1024xf32, #tpu.memory_space<vmem_shared>> -> memref<64xf32, #tpu.memory_space<vmem_shared>>
      tpu.enqueue_dma source(%arg9 : memref<64xf32, #tpu.memory_space<vmem>>) target(%dma_start3A_275 : memref<64xf32, #tpu.memory_space<vmem_shared>>) target_semaphore(%run_scoped3A : memref<!tpu.dma_semaphore, #tpu.memory_space<semaphore_mem>>)
      %dma_wait3A = tpu.memref_slice %arg10[%mul3A_272] : memref<1024xf32, #tpu.memory_space<vmem_shared>> -> memref<64xf32, #tpu.memory_space<vmem_shared>>
      %dma_wait3A_276 = tpu.memref_slice %arg10[%mul3A_272] : memref<1024xf32, #tpu.memory_space<vmem_shared>> -> memref<64xf32, #tpu.memory_space<vmem_shared>>
      tpu.wait_dma2 semaphore(%run_scoped3A : memref<!tpu.dma_semaphore, #tpu.memory_space<semaphore_mem>>) src(%arg9 : memref<64xf32, #tpu.memory_space<vmem>>) dst(%dma_wait3A_276 : memref<64xf32, #tpu.memory_space<vmem_shared>>)
      tpu.yield
    }) : () -> ()
    %barrier3A = arith.constant 0 : index
    tpu.barrier barrier_id(%barrier3A)
    %eq3A = arith.constant 0 : i32
    %eq3A_273 = arith.cmpi eq, %arg1, %eq3A : i32
    %convert_element_type3A = arith.extui %eq3A_273 : i1 to i32
    %cond3A = arith.constant 0 : i32
    %cond3A_274 = arith.cmpi ne, %convert_element_type3A, %cond3A : i32
    scf.if %cond3A_274 {
      "tpu.region"() ({
        %run_scoped3A = tpu.sem_alloc : memref<!tpu.dma_semaphore, #tpu.memory_space<semaphore_mem>>
        tpu.enqueue_dma source(%arg10 : memref<1024xf32, #tpu.memory_space<vmem_shared>>) target(%arg11 : memref<1024xf32, #tpu.memory_space<vmem>>) target_semaphore(%run_scoped3A : memref<!tpu.dma_semaphore, #tpu.memory_space<semaphore_mem>>)
        tpu.wait_dma2 semaphore(%run_scoped3A : memref<!tpu.dma_semaphore, #tpu.memory_space<semaphore_mem>>) src(%arg10 : memref<1024xf32, #tpu.memory_space<vmem_shared>>) dst(%arg11 : memref<1024xf32, #tpu.memory_space<vmem>>)
        tpu.yield
      }) : () -> ()
      "tpu.region"() ({
        %run_scoped3A = tpu.sem_alloc : memref<!tpu.dma_semaphore, #tpu.memory_space<semaphore_mem>>
        tpu.enqueue_dma source(%arg4 : memref<64xf32, #tpu.memory_space<hbm>>) target(%arg12 : memref<64xf32, #tpu.memory_space<vmem>>) target_semaphore(%run_scoped3A : memref<!tpu.dma_semaphore, #tpu.memory_space<semaphore_mem>>)
        tpu.wait_dma2 semaphore(%run_scoped3A : memref<!tpu.dma_semaphore, #tpu.memory_space<semaphore_mem>>) src(%arg4 : memref<64xf32, #tpu.memory_space<hbm>>) dst(%arg12 : memref<64xf32, #tpu.memory_space<vmem>>)
        tpu.yield
      }) : () -> ()
      %get3A_275 = arith.constant 0 : index
      %get3A_276 = tpu.vector_load %arg11[%get3A_275] {strides = array<i32>} : memref<1024xf32, #tpu.memory_space<vmem>>, vector<16xf32>,
      %get3A_277 = arith.constant 64 : index
      %get3A_278 = tpu.vector_load %arg11[%get3A_277] {strides = array<i32>} : memref<1024xf32, #tpu.memory_space<vmem>>, vector<16xf32>,
      %add3A_279 = arith.addf %get3A_276, %get3A_278 : vector<16xf32>
      %get3A_280 = arith.constant 128 : index
      %get3A_281 = tpu.vector_load %arg11[%get3A_280] {strides = array<i32>} : memref<1024xf32, #tpu.memory_space<vmem>>, vector<16xf32>,
      %add3A_282 = arith.addf %add3A_279, %get3A_281 : vector<16xf32>
      %get3A_283 = arith.constant 192 : index
      %get3A_284 = tpu.vector_load %arg11[%get3A_283] {strides = array<i32>} : memref<1024xf32, #tpu.memory_space<vmem>>, vector<16xf32>,
      %add3A_285 = arith.addf %add3A_282, %get3A_284 : vector<16xf32>
      %get3A_286 = arith.constant 256 : index
      %get3A_287 = tpu.vector_load %arg11[%get3A_286] {strides = array<i32>} : memref<1024xf32, #tpu.memory_space<vmem>>, vector<16xf32>,
      %add3A_288 = arith.addf %add3A_285, %get3A_287 : vector<16xf32>
      %get3A_289 = arith.constant 320 : index
      %get3A_290 = tpu.vector_load %arg11[%get3A_289] {strides = array<i32>} : memref<1024xf32, #tpu.memory_space<vmem>>, vector<16xf32>,
      %add3A_291 = arith.addf %add3A_288, %get3A_290 : vector<16xf32>
      %get3A_292 = arith.constant 384 : index
      %get3A_293 = tpu.vector_load %arg11[%get3A_292] {strides = array<i32>} : memref<1024xf32, #tpu.memory_space<vmem>>, vector<16xf32>,
      %add3A_294 = arith.addf %add3A_291, %get3A_293 : vector<16xf32>
      %get3A_295 = arith.constant 448 : index
      %get3A_296 = tpu.vector_load %arg11[%get3A_295] {strides = array<i32>} : memref<1024xf32, #tpu.memory_space<vmem>>, vector<16xf32>,
      %add3A_297 = arith.addf %add3A_294, %get3A_296 : vector<16xf32>
      %get3A_298 = arith.constant 512 : index
      %get3A_299 = tpu.vector_load %arg11[%get3A_298] {strides = array<i32>} : memref<1024xf32, #tpu.memory_space<vmem>>, vector<16xf32>,
      %add3A_300 = arith.addf %add3A_297, %get3A_299 : vector<16xf32>
      %get3A_301 = arith.constant 576 : index
      %get3A_302 = tpu.vector_load %arg11[%get3A_301] {strides = array<i32>} : memref<1024xf32, #tpu.memory_space<vmem>>, vector<16xf32>,
      %add3A_303 = arith.addf %add3A_300, %get3A_302 : vector<16xf32>
      %get3A_304 = arith.constant 640 : index
      %get3A_305 = tpu.vector_load %arg11[%get3A_304] {strides = array<i32>} : memref<1024xf32, #tpu.memory_space<vmem>>, vector<16xf32>,
      %add3A_306 = arith.addf %add3A_303, %get3A_305 : vector<16xf32>
      %get3A_307 = arith.constant 704 : index
      %get3A_308 = tpu.vector_load %arg11[%get3A_307] {strides = array<i32>} : memref<1024xf32, #tpu.memory_space<vmem>>, vector<16xf32>,
      %add3A_309 = arith.addf %add3A_306, %get3A_308 : vector<16xf32>
      %get3A_310 = arith.constant 768 : index
      %get3A_311 = tpu.vector_load %arg11[%get3A_310] {strides = array<i32>} : memref<1024xf32, #tpu.memory_space<vmem>>, vector<16xf32>,
      %add3A_312 = arith.addf %add3A_309, %get3A_311 : vector<16xf32>
      %get3A_313 = arith.constant 832 : index
      %get3A_314 = tpu.vector_load %arg11[%get3A_313] {strides = array<i32>} : memref<1024xf32, #tpu.memory_space<vmem>>, vector<16xf32>,
      %add3A_315 = arith.addf %add3A_312, %get3A_314 : vector<16xf32>
      %get3A_316 = arith.constant 896 : index
      %get3A_317 = tpu.vector_load %arg11[%get3A_316] {strides = array<i32>} : memref<1024xf32, #tpu.memory_space<vmem>>, vector<16xf32>,
      %add3A_318 = arith.addf %add3A_315, %get3A_317 : vector<16xf32>
      %get3A_319 = arith.constant 960 : index
      %get3A_320 = tpu.vector_load %arg11[%get3A_319] {strides = array<i32>} : memref<1024xf32, #tpu.memory_space<vmem>>, vector<16xf32>,
      %add3A_321 = arith.addf %add3A_318, %get3A_320 : vector<16xf32>
      %get3A_322 = arith.constant 0 : index
      %get3A_323 = tpu.vector_load %arg12[%get3A_322] {strides = array<i32>} : memref<64xf32, #tpu.memory_space<vmem>>, vector<16xf32>,
      %add3A_324 = arith.addf %add3A_321, %get3A_323 : vector<16xf32>
      %get3A_325 = arith.constant 16 : index
      %get3A_326 = tpu.vector_load %arg11[%get3A_325] {strides = array<i32>} : memref<1024xf32, #tpu.memory_space<vmem>>, vector<16xf32>,
      %get3A_327 = arith.constant 80 : index
      %get3A_328 = tpu.vector_load %arg11[%get3A_327] {strides = array<i32>} : memref<1024xf32, #tpu.memory_space<vmem>>, vector<16xf32>,
      %add3A_329 = arith.addf %get3A_326, %get3A_328 : vector<16xf32>
      %get3A_330 = arith.constant 144 : index
      %get3A_331 = tpu.vector_load %arg11[%get3A_330] {strides = array<i32>} : memref<1024xf32, #tpu.memory_space<vmem>>, vector<16xf32>,
      %add3A_332 = arith.addf %add3A_329, %get3A_331 : vector<16xf32>
      %get3A_333 = arith.constant 208 : index
      %get3A_334 = tpu.vector_load %arg11[%get3A_333] {strides = array<i32>} : memref<1024xf32, #tpu.memory_space<vmem>>, vector<16xf32>,
      %add3A_335 = arith.addf %add3A_332, %get3A_334 : vector<16xf32>
      %get3A_336 = arith.constant 272 : index
      %get3A_337 = tpu.vector_load %arg11[%get3A_336] {strides = array<i32>} : memref<1024xf32, #tpu.memory_space<vmem>>, vector<16xf32>,
      %add3A_338 = arith.addf %add3A_335, %get3A_337 : vector<16xf32>
      %get3A_339 = arith.constant 336 : index
      %get3A_340 = tpu.vector_load %arg11[%get3A_339] {strides = array<i32>} : memref<1024xf32, #tpu.memory_space<vmem>>, vector<16xf32>,
      %add3A_341 = arith.addf %add3A_338, %get3A_340 : vector<16xf32>
      %get3A_342 = arith.constant 400 : index
      %get3A_343 = tpu.vector_load %arg11[%get3A_342] {strides = array<i32>} : memref<1024xf32, #tpu.memory_space<vmem>>, vector<16xf32>,
      %add3A_344 = arith.addf %add3A_341, %get3A_343 : vector<16xf32>
      %get3A_345 = arith.constant 464 : index
      %get3A_346 = tpu.vector_load %arg11[%get3A_345] {strides = array<i32>} : memref<1024xf32, #tpu.memory_space<vmem>>, vector<16xf32>,
      %add3A_347 = arith.addf %add3A_344, %get3A_346 : vector<16xf32>
      %get3A_348 = arith.constant 528 : index
      %get3A_349 = tpu.vector_load %arg11[%get3A_348] {strides = array<i32>} : memref<1024xf32, #tpu.memory_space<vmem>>, vector<16xf32>,
      %add3A_350 = arith.addf %add3A_347, %get3A_349 : vector<16xf32>
      %get3A_351 = arith.constant 592 : index
      %get3A_352 = tpu.vector_load %arg11[%get3A_351] {strides = array<i32>} : memref<1024xf32, #tpu.memory_space<vmem>>, vector<16xf32>,
      %add3A_353 = arith.addf %add3A_350, %get3A_352 : vector<16xf32>
      %get3A_354 = arith.constant 656 : index
      %get3A_355 = tpu.vector_load %arg11[%get3A_354] {strides = array<i32>} : memref<1024xf32, #tpu.memory_space<vmem>>, vector<16xf32>,
      %add3A_356 = arith.addf %add3A_353, %get3A_355 : vector<16xf32>
      %get3A_357 = arith.constant 720 : index
      %get3A_358 = tpu.vector_load %arg11[%get3A_357] {strides = array<i32>} : memref<1024xf32, #tpu.memory_space<vmem>>, vector<16xf32>,
      %add3A_359 = arith.addf %add3A_356, %get3A_358 : vector<16xf32>
      %get3A_360 = arith.constant 784 : index
      %get3A_361 = tpu.vector_load %arg11[%get3A_360] {strides = array<i32>} : memref<1024xf32, #tpu.memory_space<vmem>>, vector<16xf32>,
      %add3A_362 = arith.addf %add3A_359, %get3A_361 : vector<16xf32>
      %get3A_363 = arith.constant 848 : index
      %get3A_364 = tpu.vector_load %arg11[%get3A_363] {strides = array<i32>} : memref<1024xf32, #tpu.memory_space<vmem>>, vector<16xf32>,
      %add3A_365 = arith.addf %add3A_362, %get3A_364 : vector<16xf32>
      %get3A_366 = arith.constant 912 : index
      %get3A_367 = tpu.vector_load %arg11[%get3A_366] {strides = array<i32>} : memref<1024xf32, #tpu.memory_space<vmem>>, vector<16xf32>,
      %add3A_368 = arith.addf %add3A_365, %get3A_367 : vector<16xf32>
      %get3A_369 = arith.constant 976 : index
      %get3A_370 = tpu.vector_load %arg11[%get3A_369] {strides = array<i32>} : memref<1024xf32, #tpu.memory_space<vmem>>, vector<16xf32>,
      %add3A_371 = arith.addf %add3A_368, %get3A_370 : vector<16xf32>
      %get3A_372 = arith.constant 16 : index
      %get3A_373 = tpu.vector_load %arg12[%get3A_372] {strides = array<i32>} : memref<64xf32, #tpu.memory_space<vmem>>, vector<16xf32>,
      %add3A_374 = arith.addf %add3A_371, %get3A_373 : vector<16xf32>
      %get3A_375 = arith.constant 32 : index
      %get3A_376 = tpu.vector_load %arg11[%get3A_375] {strides = array<i32>} : memref<1024xf32, #tpu.memory_space<vmem>>, vector<16xf32>,
      %get3A_377 = arith.constant 96 : index
      %get3A_378 = tpu.vector_load %arg11[%get3A_377] {strides = array<i32>} : memref<1024xf32, #tpu.memory_space<vmem>>, vector<16xf32>,
      %add3A_379 = arith.addf %get3A_376, %get3A_378 : vector<16xf32>
      %get3A_380 = arith.constant 160 : index
      %get3A_381 = tpu.vector_load %arg11[%get3A_380] {strides = array<i32>} : memref<1024xf32, #tpu.memory_space<vmem>>, vector<16xf32>,
      %add3A_382 = arith.addf %add3A_379, %get3A_381 : vector<16xf32>
      %get3A_383 = arith.constant 224 : index
      %get3A_384 = tpu.vector_load %arg11[%get3A_383] {strides = array<i32>} : memref<1024xf32, #tpu.memory_space<vmem>>, vector<16xf32>,
      %add3A_385 = arith.addf %add3A_382, %get3A_384 : vector<16xf32>
      %get3A_386 = arith.constant 288 : index
      %get3A_387 = tpu.vector_load %arg11[%get3A_386] {strides = array<i32>} : memref<1024xf32, #tpu.memory_space<vmem>>, vector<16xf32>,
      %add3A_388 = arith.addf %add3A_385, %get3A_387 : vector<16xf32>
      %get3A_389 = arith.constant 352 : index
      %get3A_390 = tpu.vector_load %arg11[%get3A_389] {strides = array<i32>} : memref<1024xf32, #tpu.memory_space<vmem>>, vector<16xf32>,
      %add3A_391 = arith.addf %add3A_388, %get3A_390 : vector<16xf32>
      %get3A_392 = arith.constant 416 : index
      %get3A_393 = tpu.vector_load %arg11[%get3A_392] {strides = array<i32>} : memref<1024xf32, #tpu.memory_space<vmem>>, vector<16xf32>,
      %add3A_394 = arith.addf %add3A_391, %get3A_393 : vector<16xf32>
      %get3A_395 = arith.constant 480 : index
      %get3A_396 = tpu.vector_load %arg11[%get3A_395] {strides = array<i32>} : memref<1024xf32, #tpu.memory_space<vmem>>, vector<16xf32>,
      %add3A_397 = arith.addf %add3A_394, %get3A_396 : vector<16xf32>
      %get3A_398 = arith.constant 544 : index
      %get3A_399 = tpu.vector_load %arg11[%get3A_398] {strides = array<i32>} : memref<1024xf32, #tpu.memory_space<vmem>>, vector<16xf32>,
      %add3A_400 = arith.addf %add3A_397, %get3A_399 : vector<16xf32>
      %get3A_401 = arith.constant 608 : index
      %get3A_402 = tpu.vector_load %arg11[%get3A_401] {strides = array<i32>} : memref<1024xf32, #tpu.memory_space<vmem>>, vector<16xf32>,
      %add3A_403 = arith.addf %add3A_400, %get3A_402 : vector<16xf32>
      %get3A_404 = arith.constant 672 : index
      %get3A_405 = tpu.vector_load %arg11[%get3A_404] {strides = array<i32>} : memref<1024xf32, #tpu.memory_space<vmem>>, vector<16xf32>,
      %add3A_406 = arith.addf %add3A_403, %get3A_405 : vector<16xf32>
      %get3A_407 = arith.constant 736 : index
      %get3A_408 = tpu.vector_load %arg11[%get3A_407] {strides = array<i32>} : memref<1024xf32, #tpu.memory_space<vmem>>, vector<16xf32>,
      %add3A_409 = arith.addf %add3A_406, %get3A_408 : vector<16xf32>
      %get3A_410 = arith.constant 800 : index
      %get3A_411 = tpu.vector_load %arg11[%get3A_410] {strides = array<i32>} : memref<1024xf32, #tpu.memory_space<vmem>>, vector<16xf32>,
      %add3A_412 = arith.addf %add3A_409, %get3A_411 : vector<16xf32>
      %get3A_413 = arith.constant 864 : index
      %get3A_414 = tpu.vector_load %arg11[%get3A_413] {strides = array<i32>} : memref<1024xf32, #tpu.memory_space<vmem>>, vector<16xf32>,
      %add3A_415 = arith.addf %add3A_412, %get3A_414 : vector<16xf32>
      %get3A_416 = arith.constant 928 : index
      %get3A_417 = tpu.vector_load %arg11[%get3A_416] {strides = array<i32>} : memref<1024xf32, #tpu.memory_space<vmem>>, vector<16xf32>,
      %add3A_418 = arith.addf %add3A_415, %get3A_417 : vector<16xf32>
      %get3A_419 = arith.constant 992 : index
      %get3A_420 = tpu.vector_load %arg11[%get3A_419] {strides = array<i32>} : memref<1024xf32, #tpu.memory_space<vmem>>, vector<16xf32>,
      %add3A_421 = arith.addf %add3A_418, %get3A_420 : vector<16xf32>
      %get3A_422 = arith.constant 32 : index
      %get3A_423 = tpu.vector_load %arg12[%get3A_422] {strides = array<i32>} : memref<64xf32, #tpu.memory_space<vmem>>, vector<16xf32>,
      %add3A_424 = arith.addf %add3A_421, %get3A_423 : vector<16xf32>
      %max3A_425 = arith.constant 1.000000e+00 : f32
      %max3A_426 = vector.broadcast %max3A_425 : f32 to vector<16xf32>
      %max3A_427 = arith.maximumf %add3A_324, %max3A_426 : vector<16xf32>
      %div3A_428 = arith.divf %add3A_374, %max3A_427 : vector<16xf32>
      %div3A_429 = arith.divf %add3A_424, %max3A_427 : vector<16xf32>
      %sub3A_430 = arith.subf %div3A_428, %div3A_429 : vector<16xf32>
      %abs3A = math.absf %sub3A_430 : vector<16xf32>
      %mul3A_431 = arith.constant 2.000000e-06 : f32
      %mul3A_432 = vector.broadcast %mul3A_431 : f32 to vector<16xf32>
      %mul3A_433 = arith.mulf %add3A_324, %mul3A_432 : vector<16xf32>
      %mul3A_434 = arith.mulf %abs3A, %mul3A_433 : vector<16xf32>
      %gt3A = arith.constant 0.000000e+00 : f32
      %gt3A_435 = vector.broadcast %gt3A : f32 to vector<16xf32>
      %gt3A_436 = arith.cmpf ogt, %add3A_324, %gt3A_435 : vector<16xf32>
      %jit3A_437 = arith.constant 0.000000e+00 : f32
      %broadcast_in_dim3A_438 = vector.broadcast %jit3A_437 : f32 to vector<16xf32>
      %select_n3A_439 = arith.select %gt3A_436, %mul3A_434, %broadcast_in_dim3A_438 : vector<16xi1>, vector<16xf32>
      %reduce_sum3A = arith.constant true
      %reduce_sum3A_440 = vector.broadcast %reduce_sum3A : i1 to vector<16xi1>
      %reduce_sum3A_441 = tpu.scan <sum>, %select_n3A_439 masked %reduce_sum3A_440 : vector<16xf32>, vector<16xi1> -> vector<16xf32>
      %reduce_sum3A_442 = vector.extract %reduce_sum3A_441[15] : f32 from vector<16xf32>
      %eq3A_443 = arith.constant 0 : i32
      %eq3A_444 = vector.broadcast %eq3A_443 : i32 to vector<16xi32>
      %eq3A_445 = arith.cmpi eq, %iota3A_100, %eq3A_444 : vector<16xi32>
      %jit3A_446 = arith.constant 0.000000e+00 : f32
      %broadcast_in_dim3A_447 = vector.broadcast %reduce_sum3A_442 : f32 to vector<16xf32>
      %broadcast_in_dim3A_448 = vector.broadcast %jit3A_446 : f32 to vector<16xf32>
      %select_n3A_449 = arith.select %eq3A_445, %broadcast_in_dim3A_447, %broadcast_in_dim3A_448 : vector<16xi1>, vector<16xf32>
      %swap3A_450 = arith.constant 0 : index
      %swap3A_451 = tpu.vector_load %arg13[%swap3A_450] {strides = array<i32>} : memref<16xf32, #tpu.memory_space<vmem>>, vector<16xf32>,
      tpu.vector_store %arg13[%swap3A_450], %select_n3A_449 {strides = array<i32>} : memref<16xf32, #tpu.memory_space<vmem>>, vector<16xf32>,
      "tpu.region"() ({
        %run_scoped3A = tpu.sem_alloc : memref<!tpu.dma_semaphore, #tpu.memory_space<semaphore_mem>>
        tpu.enqueue_dma source(%arg13 : memref<16xf32, #tpu.memory_space<vmem>>) target(%arg5 : memref<16xf32, #tpu.memory_space<hbm>>) target_semaphore(%run_scoped3A : memref<!tpu.dma_semaphore, #tpu.memory_space<semaphore_mem>>)
        tpu.wait_dma2 semaphore(%run_scoped3A : memref<!tpu.dma_semaphore, #tpu.memory_space<semaphore_mem>>) src(%arg13 : memref<16xf32, #tpu.memory_space<vmem>>) dst(%arg5 : memref<16xf32, #tpu.memory_space<hbm>>)
        tpu.yield
      }) : () -> ()
    } else {
    }
    return
  }
}

module attributes {stable_mosaic.version = 14 : i64} {
  func.func @_rowstats_body(%arg0: i32, %arg1: memref<100x4096xf32, #tpu.memory_space<vmem>>, %arg2: memref<4096xi32, #tpu.memory_space<vmem>>, %arg3: memref<4096xf32, #tpu.memory_space<vmem>>, %arg4: memref<4096xf32, #tpu.memory_space<vmem>>) attributes {dimension_semantics = [#tpu.dimension_semantics<arbitrary>], iteration_bounds = array<i64: 21>, scalar_prefetch = 0 : i64, scratch_operands = 0 : i64, tpu.core_type = #tpu.core_type<tc>, window_params = [{transform_indices = @transform_0, window_bounds = array<i64: 100, 4096>}, {transform_indices = @transform_1, window_bounds = array<i64: 4096>}, {transform_indices = @transform_2, window_bounds = array<i64: 4096>}, {transform_indices = @transform_3, window_bounds = array<i64: 4096>}]} {
    %get3A = arith.constant 0 : index
    %get3A_0 = arith.constant 0 : index
    %get3A_1 = vector.load %arg1[%get3A, %get3A_0] : memref<100x4096xf32, #tpu.memory_space<vmem>>, vector<100x4096xf32>
    %reduce_max3A = arith.constant dense<0xFF800000> : vector<4096xf32>
    %reduce_max3A_2 = vector.multi_reduction <maximumf>, %get3A_1, %reduce_max3A [0] : vector<100x4096xf32> to vector<4096xf32>
    %broadcast_in_dim3A = vector.shape_cast %reduce_max3A_2 : vector<4096xf32> to vector<1x4096xf32>
    %sub3A = vector.broadcast %broadcast_in_dim3A : vector<1x4096xf32> to vector<100x4096xf32>
    %sub3A_3 = arith.subf %get3A_1, %sub3A : vector<100x4096xf32>
    %exp3A = math.exp %sub3A_3 : vector<100x4096xf32>
    %reduce_sum3A = arith.constant dense<0.000000e+00> : vector<4096xf32>
    %reduce_sum3A_4 = vector.multi_reduction <add>, %exp3A, %reduce_sum3A [0] : vector<100x4096xf32> to vector<4096xf32>
    %div3A = arith.constant 1.000000e+00 : f32
    %div3A_5 = vector.broadcast %div3A : f32 to vector<4096xf32>
    %div3A_6 = arith.divf %div3A_5, %reduce_sum3A_4 : vector<4096xf32>
    %swap3A = arith.constant 0 : index
    %swap3A_7 = vector.load %arg3[%swap3A] : memref<4096xf32, #tpu.memory_space<vmem>>, vector<4096xf32>
    tpu.vector_store %arg3[%swap3A], %div3A_6 {strides = array<i32>} : memref<4096xf32, #tpu.memory_space<vmem>>, vector<4096xf32>,
    %iota3A = tpu.iota {dimensions = array<i32: 0>} : vector<100x4096xi32>
    %eq3A = vector.broadcast %broadcast_in_dim3A : vector<1x4096xf32> to vector<100x4096xf32>
    %eq3A_8 = arith.cmpf oeq, %get3A_1, %eq3A : vector<100x4096xf32>
    %jit3A = arith.constant 100 : i32
    %broadcast_in_dim3A_9 = vector.broadcast %jit3A : i32 to vector<100x4096xi32>
    %select_n3A = arith.select %eq3A_8, %iota3A, %broadcast_in_dim3A_9 : vector<100x4096xi1>, vector<100x4096xi32>
    %reduce_min3A = arith.constant dense<2147483647> : vector<4096xi32>
    %reduce_min3A_10 = vector.multi_reduction <minsi>, %select_n3A, %reduce_min3A [0] : vector<100x4096xi32> to vector<4096xi32>
    %get3A_11 = arith.constant 0 : index
    %get3A_12 = vector.load %arg2[%get3A_11] : memref<4096xi32, #tpu.memory_space<vmem>>, vector<4096xi32>
    %eq3A_13 = arith.cmpi eq, %reduce_min3A_10, %get3A_12 : vector<4096xi32>
    %convert_element_type3A = arith.extui %eq3A_13 : vector<4096xi1> to vector<4096xi32>
    %convert_element_type3A_14 = arith.sitofp %convert_element_type3A : vector<4096xi32> to vector<4096xf32>
    %swap3A_15 = arith.constant 0 : index
    %swap3A_16 = vector.load %arg4[%swap3A_15] : memref<4096xf32, #tpu.memory_space<vmem>>, vector<4096xf32>
    tpu.vector_store %arg4[%swap3A_15], %convert_element_type3A_14 {strides = array<i32>} : memref<4096xf32, #tpu.memory_space<vmem>>, vector<4096xf32>,
    return
  }
  func.func @transform_0(%arg0: i32) -> (i32, i32) {
    %add3A = arith.constant 102 : i32
    %add3A_0 = arith.addi %arg0, %add3A : i32
    %c0_i32 = arith.constant 0 : i32
    %c0_i32_1 = arith.constant 0 : i32
    return %c0_i32, %add3A_0 : i32, i32
  }
  func.func @transform_1(%arg0: i32) -> i32 {
    %add3A = arith.constant 102 : i32
    %add3A_0 = arith.addi %arg0, %add3A : i32
    %c0_i32 = arith.constant 0 : i32
    return %add3A_0 : i32
  }
  func.func @transform_2(%arg0: i32) -> i32 {
    %c0_i32 = arith.constant 0 : i32
    return %arg0 : i32
  }
  func.func @transform_3(%arg0: i32) -> i32 {
    %c0_i32 = arith.constant 0 : i32
    return %arg0 : i32
  }
}

module attributes {stable_mosaic.version = 14 : i64} {
  func.func @_rowstats_body(%arg0: i32, %arg1: memref<100x4096xf32, #tpu.memory_space<vmem>>, %arg2: memref<4096xi32, #tpu.memory_space<vmem>>, %arg3: memref<4096xf32, #tpu.memory_space<vmem>>, %arg4: memref<4096xf32, #tpu.memory_space<vmem>>) attributes {dimension_semantics = [#tpu.dimension_semantics<arbitrary>], iteration_bounds = array<i64: 102>, scalar_prefetch = 0 : i64, scratch_operands = 0 : i64, tpu.core_type = #tpu.core_type<tc>, window_params = [{transform_indices = @transform_0, window_bounds = array<i64: 100, 4096>}, {transform_indices = @transform_1, window_bounds = array<i64: 4096>}, {transform_indices = @transform_2, window_bounds = array<i64: 4096>}, {transform_indices = @transform_3, window_bounds = array<i64: 4096>}]} {
    %get3A = arith.constant 0 : index
    %get3A_0 = arith.constant 0 : index
    %get3A_1 = vector.load %arg1[%get3A, %get3A_0] : memref<100x4096xf32, #tpu.memory_space<vmem>>, vector<100x4096xf32>
    %reduce_max3A = arith.constant dense<0xFF800000> : vector<4096xf32>
    %reduce_max3A_2 = vector.multi_reduction <maximumf>, %get3A_1, %reduce_max3A [0] : vector<100x4096xf32> to vector<4096xf32>
    %broadcast_in_dim3A = vector.shape_cast %reduce_max3A_2 : vector<4096xf32> to vector<1x4096xf32>
    %sub3A = vector.broadcast %broadcast_in_dim3A : vector<1x4096xf32> to vector<100x4096xf32>
    %sub3A_3 = arith.subf %get3A_1, %sub3A : vector<100x4096xf32>
    %exp3A = math.exp %sub3A_3 : vector<100x4096xf32>
    %reduce_sum3A = arith.constant dense<0.000000e+00> : vector<4096xf32>
    %reduce_sum3A_4 = vector.multi_reduction <add>, %exp3A, %reduce_sum3A [0] : vector<100x4096xf32> to vector<4096xf32>
    %div3A = arith.constant 1.000000e+00 : f32
    %div3A_5 = vector.broadcast %div3A : f32 to vector<4096xf32>
    %div3A_6 = arith.divf %div3A_5, %reduce_sum3A_4 : vector<4096xf32>
    %swap3A = arith.constant 0 : index
    %swap3A_7 = vector.load %arg3[%swap3A] : memref<4096xf32, #tpu.memory_space<vmem>>, vector<4096xf32>
    tpu.vector_store %arg3[%swap3A], %div3A_6 {strides = array<i32>} : memref<4096xf32, #tpu.memory_space<vmem>>, vector<4096xf32>,
    %iota3A = tpu.iota {dimensions = array<i32: 0>} : vector<100x4096xi32>
    %eq3A = vector.broadcast %broadcast_in_dim3A : vector<1x4096xf32> to vector<100x4096xf32>
    %eq3A_8 = arith.cmpf oeq, %get3A_1, %eq3A : vector<100x4096xf32>
    %jit3A = arith.constant 100 : i32
    %broadcast_in_dim3A_9 = vector.broadcast %jit3A : i32 to vector<100x4096xi32>
    %select_n3A = arith.select %eq3A_8, %iota3A, %broadcast_in_dim3A_9 : vector<100x4096xi1>, vector<100x4096xi32>
    %reduce_min3A = arith.constant dense<2147483647> : vector<4096xi32>
    %reduce_min3A_10 = vector.multi_reduction <minsi>, %select_n3A, %reduce_min3A [0] : vector<100x4096xi32> to vector<4096xi32>
    %get3A_11 = arith.constant 0 : index
    %get3A_12 = vector.load %arg2[%get3A_11] : memref<4096xi32, #tpu.memory_space<vmem>>, vector<4096xi32>
    %eq3A_13 = arith.cmpi eq, %reduce_min3A_10, %get3A_12 : vector<4096xi32>
    %convert_element_type3A = arith.extui %eq3A_13 : vector<4096xi1> to vector<4096xi32>
    %convert_element_type3A_14 = arith.sitofp %convert_element_type3A : vector<4096xi32> to vector<4096xf32>
    %swap3A_15 = arith.constant 0 : index
    %swap3A_16 = vector.load %arg4[%swap3A_15] : memref<4096xf32, #tpu.memory_space<vmem>>, vector<4096xf32>
    tpu.vector_store %arg4[%swap3A_15], %convert_element_type3A_14 {strides = array<i32>} : memref<4096xf32, #tpu.memory_space<vmem>>, vector<4096xf32>,
    return
  }
  func.func @transform_0(%arg0: i32) -> (i32, i32) {
    %add3A = arith.constant 0 : i32
    %add3A_0 = arith.addi %arg0, %add3A : i32
    %c0_i32 = arith.constant 0 : i32
    %c0_i32_1 = arith.constant 0 : i32
    return %c0_i32, %add3A_0 : i32, i32
  }
  func.func @transform_1(%arg0: i32) -> i32 {
    %add3A = arith.constant 0 : i32
    %add3A_0 = arith.addi %arg0, %add3A : i32
    %c0_i32 = arith.constant 0 : i32
    return %add3A_0 : i32
  }
  func.func @transform_2(%arg0: i32) -> i32 {
    %c0_i32 = arith.constant 0 : i32
    return %arg0 : i32
  }
  func.func @transform_3(%arg0: i32) -> i32 {
    %c0_i32 = arith.constant 0 : i32
    return %arg0 : i32
  }
}

</mosaic_0001>

<sc_bundles>
// kernel: kernel.6.cloned.1.call-start
scs
__scs_entry_jumppad:
0x0: {  	(pc) =	sbr.rel $0x88, $3  }
0x1: {  	(tag) =	ssettag $0x0;
	lr =	simm.s32 $0x1  }
0x2: {  	[smem:$0x3F9F] =	sst lr;
	_ =	strace $0xD0000000  }
0x3: {  	_ = 	snop  }
0x4: {  	_ = 	snop  }
0x5: {  	_ = 	snop  }
0x6: {  	_ = 	snop  }
0x7: {  	_ = 	snop  }
__scs_overlays_trampoline_lowered:
0x8: {  	[smem:$0x3FAE] =	sst s0  }
0x9: {  	[smem:$0x3FAF] =	sst s1  }
0xa: {  	[smem:$0x3FB0] =	sst s2  }
0xb: {  	[smem:$0x3FB1] =	sst s3  }
0xc: {  	[smem:$0x3FB2] =	sst s4  }
0xd: {  	[smem:$0x3FB3] =	sst s5  }
0xe: {  	[smem:$0x3FB4] =	sst s6  }
0xf: {  	[smem:$0x3FB5] =	sst s7  }
0x10: {  	[smem:$0x3FB6] =	sst s8  }
0x11: {  	[smem:$0x3FB7] =	sst s9;
	s0 =	simm.s32 @!p0 $0x0  }
0x12: {  	s1 =	sld [smem:$0x3F9D];
	s0 =	simm.s32 @p0 $0x1  }
0x13: {  	[smem:$0x3FB8] =	sst s0;
	s0 =	simm.s32 @!p1 $0x0  }
0x14: {  	s2 =	sld [smem:$0x3F9C];
	s0 =	simm.s32 @p1 $0x1  }
0x15: {  	[smem:$0x3FB9] =	sst s0;
	s0 =	simm.s32 @!p2 $0x0  }
0x16: {  	s3 =	sld [smem:$0x3FDB];
	s0 =	simm.s32 @p2 $0x1  }
0x17: {  	s4 =	simm.s32 $0x1BF5;
	[smem:$0x3FBB] =	sst s0  }
0x18: {  	s0 =	sld [smem:$0x3F9E];
	_ =	swait.ge [sflag:s4], $0x0  }
0x19: {  	s7 =	sld [smem:$0x3F9F]  }
0x1a: {  	s8 =	sadd.s32 $0xFFFFE003, lr  }
0x1b: {  	s9 =	sadd.s32 $0xFFFFFEF7, lr;
	s5 =	simm.s32 $0xFFFFFFFF;
	p2 =	slt.u32 s8, $0xFFFFF086  }
0x1c: {  	p1 =	slt.u32 s9, $0xF7A;
	s5 =	simm.s32 @!p2 $0x0  }
0x1d: {  	s5 =	simm.s32 @p1 $0x1;
	p0 =	seq.s32 s7, s2  }
0x1e: {  	s7 =	smul.u32 @!p0 $0xF7A, s2;
	p2 =	seq.s32 @!p0 s5, $0x0  }
0x1f: {  	s9 =	smul.u32 $0xF7A, s1;
	s8 =	simm.s32 @!p0 $0x1BF5;
	p2 =	por !p2, p0  }
0x20: {  	[sflag:s8] =	ssyncset.s32 @!p0 $0xFFFFF086;
	s6 =	sadd.s32 @!p0 s3, s7;
	s7 =	simm.s32 @!p0 $0x108  }
0x21: {  	s3 =	sadd.s32 s3, s9;
	s6 =	sadd.s32 @!p0 $0x88, s6;
	s7 =	simm.s32 @p2 $0x1082  }
0x22: {  	[simem:s7], [sflag:s8] =	dma.local @!p0 [hbm:s6], $0xF7A  }
0x23: {  	s9 =	sor.u32 $0xD0000000, s2;
	s6 =	simm.s32 $0x108;
	_ =	swait.ge @!p0 [sflag:s8], $0x0  }
0x24: {  	s3 =	sadd.s32 $0x88, s3;
	s6 =	simm.s32 @!p1 $0x1082;
	[sflag:s4] =	ssyncset.s32 $0xFFFFF086  }
0x25: {  	[simem:s6], [sflag:s4] =	dma.local [hbm:s3], $0xF7A  }
0x26: {  	[smem:$0x3F9F] =	sst s1;
	(tag) =	ssettag s2;
	_ =	strace s9  }
0x27: {  	s1 =	sld [smem:$0x3FAF]  }
0x28: {  	s2 =	sld [smem:$0x3FB0]  }
0x29: {  	s4 =	sld [smem:$0x3FB2]  }
0x2a: {  	p0 =	seq.s32 s5, $0x0;
	s5 =	sld [smem:$0x3FB3]  }
0x2b: {  	s6 =	sld [smem:$0x3FB4]  }
0x2c: {  	s7 =	sld [smem:$0x3FB5]  }
0x2d: {  	s3 =	simm.s32 $0x108;
	s8 =	sld [smem:$0x3FB6]  }
0x2e: {  	s3 =	simm.s32 @!p0 $0x1082;
	s9 =	sld [smem:$0x3FB7]  }
0x2f: {  	lr =	sadd.s32 s0, s3;
	s0 =	sld [smem:$0x3FAE]  }
0x30: {  	s3 =	sld [smem:$0x3FB1]  }
0x31: {  	[smem:$0x3FBA] =	sst s10  }
0x32: {  	s10 =	sld [smem:$0x3FB8];
	_ =	sdelay $0x3  }
0x33: {  	p0 =	seq.s32 s10, $0x1;
	s10 =	sld [smem:$0x3FBA];
	_ =	sdelay $0x3  }
0x34: {  	[smem:$0x3FBA] =	sst s10  }
0x35: {  	s10 =	sld [smem:$0x3FB9];
	_ =	sdelay $0x3  }
0x36: {  	p1 =	seq.s32 s10, $0x1;
	s10 =	sld [smem:$0x3FBA];
	_ =	sdelay $0x3  }
0x37: {  	[smem:$0x3FBA] =	sst s10  }
0x38: {  	s10 =	sld [smem:$0x3FBB]  }
0x39: {  	_ = 	snop;
	(pc) =	sbr.ind lr, $3  }
0x3a: {  	_ = 	snop  }
0x3b: {  	_ = 	snop  }
0x3c: {  	p2 =	seq.s32 s10, $0x1;
	s10 =	sld [smem:$0x3FBA]  }
0x3d: {  	_ =	shalt  }
0x3e: {  	_ =	shalt  }
0x3f: {  	_ =	shalt  }
0x40: {  	_ =	shalt  }
0x41: {  	_ =	shalt  }
0x42: {  	_ =	shalt  }
0x43: {  	_ =	shalt  }
0x44: {  	_ =	shalt  }
0x45: {  	_ =	shalt  }
0x46: {  	_ =	shalt  }
0x47: {  	_ =	shalt  }
0x48: {  	_ =	shalt  }
0x49: {  	_ =	shalt  }
0x4a: {  	_ =	shalt  }
0x4b: {  	_ =	shalt  }
0x4c: {  	_ =	shalt  }
0x4d: {  	_ =	shalt  }
0x4e: {  	_ =	shalt  }
0x4f: {  	_ =	shalt  }
0x50: {  	_ =	shalt  }
0x51: {  	_ =	shalt  }
0x52: {  	_ =	shalt  }
0x53: {  	_ =	shalt  }
0x54: {  	_ =	shalt  }
0x55: {  	_ =	shalt  }
0x56: {  	_ =	shalt  }
0x57: {  	_ =	shalt  }
0x58: {  	_ =	shalt  }
0x59: {  	_ =	shalt  }
0x5a: {  	_ =	shalt  }
0x5b: {  	_ =	shalt  }
0x5c: {  	_ =	shalt  }
0x5d: {  	_ =	shalt  }
0x5e: {  	_ =	shalt  }
0x5f: {  	_ =	shalt  }
0x60: {  	_ =	shalt  }
0x61: {  	_ =	shalt  }
0x62: {  	_ =	shalt  }
0x63: {  	_ =	shalt  }
0x64: {  	_ =	shalt  }
0x65: {  	_ =	shalt  }
0x66: {  	_ =	shalt  }
0x67: {  	_ =	shalt  }
0x68: {  	_ =	shalt  }
0x69: {  	_ =	shalt  }
0x6a: {  	_ =	shalt  }
0x6b: {  	_ =	shalt  }
0x6c: {  	_ =	shalt  }
0x6d: {  	_ =	shalt  }
0x6e: {  	_ =	shalt  }
0x6f: {  	_ =	shalt  }
0x70: {  	_ =	shalt  }
0x71: {  	_ =	shalt  }
0x72: {  	_ =	shalt  }
0x73: {  	_ =	shalt  }
0x74: {  	_ =	shalt  }
0x75: {  	_ =	shalt  }
0x76: {  	_ =	shalt  }
0x77: {  	_ =	shalt  }
0x78: {  	_ =	shalt  }
0x79: {  	_ =	shalt  }
0x7a: {  	_ =	shalt  }
0x7b: {  	_ =	shalt  }
0x7c: {  	_ =	shalt  }
0x7d: {  	_ =	shalt  }
0x7e: {  	_ =	shalt  }
0x7f: {  	_ =	shalt  }
0x80: {  	_ =	shalt  }
0x81: {  	_ =	shalt  }
0x82: {  	_ =	shalt  }
0x83: {  	_ =	shalt  }
0x84: {  	_ =	shalt  }
0x85: {  	_ =	shalt  }
0x86: {  	_ =	shalt  }
0x87: {  	_ =	shalt  }
.Lfunc_end0:
.L_simem_size_0:
called_computation_lowered:
.L_overlay_start_0:
0x88: {  	s0 =	sld [smem:$0x3FD9]  }
0x89: {  	s1 =	sld [smem:$0x3FFE];
	_ =	sdelay $0x3  }
0x8a: {  	s0 =	sadd.s32 s1, s0  }
0x8b: {  	[smem:$0x3FC6] =	sst s0  }
0x8c: {  	_ = 	snop  }
0x8d: {  	(tm) =	ssettm $0x1  }
0x8e: {  	s15 =	sld [smem:$0x3FFB];
	_ =	sdelay $0x3  }
0x8f: {  	_ =	strace s15  }
0x90: {  	s0 =	sld [smem:$0x3FFC];
	_ =	sdelay $0x3  }
0x91: {  	_ =	strace s0  }
0x92: {  	s0 =	sld [smem:$0x3FFD];
	_ =	sdelay $0x3  }
0x93: {  	_ =	strace s0  }
0x94: {  	_ =	strace $0x8FFFFFFF  }
0x95: {  	s16 =	sld [smem:$0x3FDB];
	_ =	sdelay $0x1  }
0x96: {  	s17 =	simm.s32 $_scs_section_size  }
0x97: {  	s2 =	simm.s32 $_size__tile_overlayer_lowered;
	s3 =	simm.s32 $_tile_overlayer_lowered  }
0x98: {  	s20 =	simm.s32 $0x1BFF;
	s19 =	sshll.u32 s3, $0x1;
	s0 =	sadd.s32 s17, s16  }
0x99: {  	s4 =	simm.s32 $0x0;
	s18 =	sshll.u32 s2, $0x1;
	s2 =	sadd.s32 s19, s0  }
0x9a: {  	[timem:s4], [sflag:s20] =	dma.local [hbm:s2], s18  }
0x9b: {  	_ =	swait.ge [sflag:s20], s18  }
0x9c: {  	s1 =	ssub.s32 $0x0, s18;
	[sflag:s20] =	ssyncset.done $0x0  }
0x9d: {  	[sflag:s20] =	ssyncadd.s32 s1;
	_ =	sdelay $0x1  }
0x9e: {  	s21 =	simm.s32 $0x1B8B  }
0x9f: {  	_ =	swait.ge [sflag:s21], $0x1  }
0xa0: {  	[sflag:s21] =	ssyncset.done $0x0  }
0xa1: {  	s23 =	simm.s32 $0x1B8E;
	s22 =	sld [smem:$0x3FFE];
	[sflag:s21] =	ssyncadd.s32 $0xFFFFFFFF  }
0xa2: {  	s24 =	simm.s32 $execute0_lowered;
	[smem:$0x3FD2] =	sst s23  }
0xa3: {  	s2 =	sshll.u32 s24, $0x1;
	_ =	strace $0x80000046;
	[dreg:$0x1] =	wrdreg $0xFFFFFFFF  }
0xa4: {  	s25 =	simm.s32 $_size_execute0_lowered;
	s0 =	sadd.s32 s0, s2;
	[dreg:$0x0] =	wrdreg $0x0  }
0xa5: {  	s2 =	sshll.u32 s25, $0x1;
	[dreg:$0x2] =	wrdreg s0  }
0xa6: {  	[dreg:$0x3] =	wrdreg s2  }
0xa7: {  	[dreg:$0x4] =	wrdreg $0xC0  }
0xa8: {  	_ =	task [dreg:s4], $0x5FFFF  }
0xa9: {  	[dreg:$0x1] =	wrdreg $0xFFFFFFFF  }
0xaa: {  	[dreg:$0x0] =	wrdreg $0x60  }
0xab: {  	[dreg:$0x2] =	wrdreg s22  }
0xac: {  	[dreg:$0x3] =	wrdreg $0xCF800  }
0xad: {  	[dreg:$0x4] =	wrdreg $0x9  }
0xae: {  	_ =	task.clear_ibuf [dreg:s4], $0x5FFFF;
	_ =	strace $0x90000046  }
0xaf: {  	s26 =	simm.s32 $0x9;
	_ =	strace $0x80000048  }
0xb0: {  	_ =	swait.ge [sflag:s26], $0x1  }
0xb1: {  	[sflag:s26] =	ssyncadd.s32 $0xFFFFFFFF  }
0xb2: {  	_ =	strace $0x90000048  }
0xb3: {  	_ =	sfence  }
0xb4: {  	s28 =	sld [smem:$0x0];
	_ =	sdelay $0x1  }
0xb5: {  	s29 =	srdreg.scid  }
0xb6: {  	s30 =	sshll.u32 s29, $0xD;
	s31 =	sshrl.u32 s29, $0x2  }
0xb7: {  	s1 =	sand.u32 $0x1, s29;
	s2 =	sand.u32 $0x4000, s30;
	s0 =	sadd.s32 s31, s28  }
0xb8: {  	s1 =	sor.u32 s2, s1;
	s0 =	sshll.u32 s0, $0x11  }
0xb9: {  	s0 =	sor.u32 s0, s1  }
0xba: {  	s0 =	sadd.s32 $0x8F2B, s0  }
0xbb: {  	[sflag:s0] =	ssyncadd.remote.s32 $0x1  }
0xbc: {  	_ =	sfence.sel $0xFFFF  }
0xbd: {  	[dreg:$0x0] =	wrdreg $0xFFFFFFFF;
	(pc) =	sbr.abs _section_cstart, $3  }
0xbe: {  	[dreg:$0x1] =	wrdreg $0xFFFFFFFF  }
0xbf: {  	_ =	task.clear_ibuf [dreg:s4], $0x2FFFF;
	_ =	strace $0x9FFFFFFF  }
0xc0: {  	(tm) =	ssettm $0x7FFFFFFF  }
0xc1: {  	_ =	shalt  }
tec
execute0_lowered:
.L_overlay_start_1:
0x0: {  	(tag) =	ssettag $0x1  }
0x1: {  	s3 =	rddreg [dreg:$0x0];
	s2 =	stileid.u32  }
0x2: {  	s1 =	rddreg [dreg:$0x1];
	s4 =	smul.u32 $0xCC0, s2  }
0x3: {  	s0 =	rddreg [dreg:$0x2];
	s5 =	simm.s32 $0x0  }
0x4: {  	[smem:$0x7FF] =	sst s5;
	s4 =	sadd.s32 s4, s3  }
0x5: {  	s30 =	simm.s32 $0x1;
	_ =	strace $0x80000047;
	s6 =	sadd.s32 $0x1600, s4  }
0x6: {  	[tilespmem:s5], [sflag:$0x1] =	stream.linear.gather [hbm4b:s6+s5], $0x6600, $0x38;
	[tilespmem:$0xD440] =	vst v63  }
0x7: {  	_ =	swait.ge [sflag:s30], $0x6600  }
0x8: {  	[sflag:s30] =	ssyncset.done $0x0  }
0x9: {  	s7 =	simm.s32 $0x6600;
	s4 =	sadd.s32 $0xE200, s4;
	[sflag:s30] =	ssyncadd.s32 $0xFFFF9A00  }
0xa: {  	[tilespmem:s7], [sflag:$0x1] =	stream.linear.gather [hbm4b:s4+s5], $0x6600, $0x38;
	[tilespmem:$0xD440] =	vst v63  }
0xb: {  	_ =	swait.ge [sflag:s30], $0x6600  }
0xc: {  	[sflag:s30] =	ssyncset.done $0x0  }
0xd: {  	v0 =	vimm.f32 $0.0e+00;
	[sflag:s30] =	ssyncadd.s32 $0xFFFF9A00  }
0xe: {  	[tilespmem:$0xCC00] =	vst v0  }
0xf: {  	[tilespmem:$0xCC10] =	vst v0  }
0x10: {  	[tilespmem:$0xCC20] =	vst v0  }
0x11: {  	[tilespmem:$0xCC30] =	vst v0  }
0x12: {  	[tilespmem:$0xCC40] =	vst v0  }
0x13: {  	[tilespmem:$0xCC50] =	vst v0  }
0x14: {  	[tilespmem:$0xCC60] =	vst v0  }
0x15: {  	[tilespmem:$0xCC70] =	vst v0  }
0x16: {  	[tilespmem:$0xCC80] =	vst v0  }
0x17: {  	[tilespmem:$0xCC90] =	vst v0  }
0x18: {  	[tilespmem:$0xCCA0] =	vst v0  }
0x19: {  	[tilespmem:$0xCCB0] =	vst v0  }
0x1a: {  	[tilespmem:$0xCCC0] =	vst v0  }
0x1b: {  	[tilespmem:$0xCCD0] =	vst v0  }
0x1c: {  	[tilespmem:$0xCCE0] =	vst v0  }
0x1d: {  	[tilespmem:$0xCCF0] =	vst v0  }
0x1e: {  	[tilespmem:$0xCD00] =	vst v0  }
0x1f: {  	[tilespmem:$0xCD10] =	vst v0  }
0x20: {  	[tilespmem:$0xCD20] =	vst v0  }
0x21: {  	[tilespmem:$0xCD30] =	vst v0  }
0x22: {  	[tilespmem:$0xCD40] =	vst v0  }
0x23: {  	[tilespmem:$0xCD50] =	vst v0  }
0x24: {  	[tilespmem:$0xCD60] =	vst v0  }
0x25: {  	[tilespmem:$0xCD70] =	vst v0  }
0x26: {  	[tilespmem:$0xCD80] =	vst v0  }
0x27: {  	[tilespmem:$0xCD90] =	vst v0  }
0x28: {  	[tilespmem:$0xCDA0] =	vst v0  }
0x29: {  	[tilespmem:$0xCDB0] =	vst v0  }
0x2a: {  	[tilespmem:$0xCDC0] =	vst v0  }
0x2b: {  	[tilespmem:$0xCDD0] =	vst v0  }
0x2c: {  	[tilespmem:$0xCDE0] =	vst v0  }
0x2d: {  	[tilespmem:$0xCDF0] =	vst v0  }
0x2e: {  	[tilespmem:$0xCE00] =	vst v0  }
0x2f: {  	[tilespmem:$0xCE10] =	vst v0  }
0x30: {  	[tilespmem:$0xCE20] =	vst v0  }
0x31: {  	[tilespmem:$0xCE30] =	vst v0  }
0x32: {  	[tilespmem:$0xCE40] =	vst v0  }
0x33: {  	[tilespmem:$0xCE50] =	vst v0  }
0x34: {  	[tilespmem:$0xCE60] =	vst v0  }
0x35: {  	[tilespmem:$0xCE70] =	vst v0  }
0x36: {  	[tilespmem:$0xCE80] =	vst v0  }
0x37: {  	[tilespmem:$0xCE90] =	vst v0  }
0x38: {  	[tilespmem:$0xCEA0] =	vst v0  }
0x39: {  	[tilespmem:$0xCEB0] =	vst v0  }
0x3a: {  	[tilespmem:$0xCEC0] =	vst v0  }
0x3b: {  	[tilespmem:$0xCED0] =	vst v0  }
0x3c: {  	[tilespmem:$0xCEE0] =	vst v0  }
0x3d: {  	s31 =	simm.s32 $0x20;
	[tilespmem:$0xCEF0] =	vst v0  }
0x3e: {  	v8 =	vld [tilespmem:s31+$0x10];
	_ =	sdelay $0x1  }
0x3f: {  	v1 =	vld [tilespmem:s31+$0xFFFFFFF0]  }
0x40: {  	v0 =	vld [tilespmem:s31+$0x0]  }
0x41: {  	v4 =	vld [tilespmem:s31+$0xFFFFFFE0]  }
0x42: {  	v2 =	vmul.f32 $1.500000000e+01, v8  }
0x43: {  	v3 =	vlaneseq.u32  }
0x44: {  	v3 =	vmul.u32 $0x10, v3;
	v6 =	vmul.f32 $1.500000000e+01, v1;
	v2 =	vtrunc.f32 v2  }
0x45: {  	v9 =	vmul.f32 $1.500000000e+01, v0;
	v7 =	vcvt.f32.s32 v2  }
0x46: {  	v5 =	vor.u32 $0x100, v3;
	v10 =	vmul.f32 $1.500000000e+01, v4  }
0x47: {  	v6 =	vtrunc.f32 v6;
	v9 =	vtrunc.f32 v9;
	vm0 =	vlt.s32 v7, $0xE  }
0x48: {  	v10 =	vtrunc.f32 v10;
	v2 =	vimm.f32 $1.000000000e+00;
	v7 =	vnsel vm0, $0xE, v7  }
0x49: {  	v11 =	vcvt.f32.s32 v6;
	v10 =	vcvt.f32.s32 v10;
	v12 =	vadd.s32 v3, v7  }
0x4a: {  	s4 =	simm.s32 $0x6620;
	v6 =	vor.u32 $0x200, v3;
	v9 =	vcvt.f32.s32 v9;
	v18 =	vadd.s32 v5, v7  }
0x4b: {  	v19 =	vld [tilespmem:s4+$0x10];
	vm15 =	vlt.s32 v11, $0xE;
	vm1 =	vlt.s32 v10, $0xE;
	v20 =	vadd.s32 v6, v7  }
0x4c: {  	vm2 =	vlt.s32 v9, $0xE;
	v11 =	vnsel vm15, $0xE, v11;
	v7 =	vnsel vm1, $0xE, v10;
	v10 =	vld [tilespmem:s4+$0xFFFFFFE0]  }
0x4d: {  	s5 =	simm.s32 $0xCC00;
	v17 =	vadd.s32 v3, v7;
	v16 =	vadd.s32 v5, v7;
	v14 =	vadd.s32 v6, v7;
	v7 =	vld [tilespmem:s4+$0xFFFFFFF0]  }
0x4e: {  	v21 =	vnsel vm2, $0xE, v9;
	v15 =	vadd.s32 v3, v11;
	v13 =	vadd.s32 v5, v11;
	[tilespmem:v12+s5+$0x0] =	vst.idx.add.f32.msk $0xffff, v2  }
0x4f: {  	v9 =	vadd.s32 v3, v21;
	v12 =	vadd.s32 v6, v11;
	[tilespmem:v18+s5+$0x0] =	vst.idx.add.f32.msk $0xffff, v8  }
0x50: {  	s3 =	sadd.s32 $0x1AE00, s3;
	s6 =	simm.s32 $0x0;
	s7 =	simm.s32 $0x60;
	v11 =	vadd.s32 v5, v21;
	v8 =	vadd.s32 v6, v21;
	[tilespmem:v20+s5+$0x0] =	vst.idx.add.f32.msk $0xffff, v19  }
.LBB2_1:
0x51: {  	v18 =	vld [tilespmem:s7+$0x10]  }
0x52: {  	v19 =	vld [tilespmem:s7+$0xFFFFFFF0]  }
0x53: {  	s6 =	sadd.s32 $0x4, s6;
	v20 =	vld [tilespmem:s7+$0x0]  }
0x54: {  	p0 =	slt.u32 s6, $0x65C;
	v21 =	vld [tilespmem:s7+$0xFFFFFFE0]  }
0x55: {  	v22 =	vld [tilespmem:s4+$0x0]  }
0x56: {  	v23 =	vmul.f32 $1.500000000e+01, v18;
	[tilespmem:v17+s5+$0x0] =	vst.idx.add.f32.msk $0xffff, v2  }
0x57: {  	v17 =	vmul.f32 $1.500000000e+01, v19;
	[tilespmem:v16+s5+$0x0] =	vst.idx.add.f32.msk $0xffff, v4  }
0x58: {  	v16 =	vmul.f32 $1.500000000e+01, v20;
	v23 =	vtrunc.f32 v23;
	[tilespmem:v14+s5+$0x0] =	vst.idx.add.f32.msk $0xffff, v10  }
0x59: {  	v10 =	vmul.f32 $1.500000000e+01, v21;
	v14 =	vcvt.f32.s32 v23;
	[tilespmem:v15+s5+$0x0] =	vst.idx.add.f32.msk $0xffff, v2;
	v4 =	vmov v21  }
0x5a: {  	v15 =	vtrunc.f32 v17;
	v16 =	vtrunc.f32 v16;
	[tilespmem:v13+s5+$0x0] =	vst.idx.add.f32.msk $0xffff, v1;
	v1 =	vmov v19  }
0x5b: {  	v13 =	vcvt.f32.s32 v15;
	v10 =	vtrunc.f32 v10;
	vm0 =	vlt.s32 v14, $0xE;
	[tilespmem:v12+s5+$0x0] =	vst.idx.add.f32.msk $0xffff, v7  }
0x5c: {  	v12 =	vcvt.f32.s32 v16;
	v7 =	vcvt.f32.s32 v10;
	v10 =	vnsel vm0, $0xE, v14;
	[tilespmem:v9+s5+$0x0] =	vst.idx.add.f32.msk $0xffff, v2  }
0x5d: {  	vm0 =	vlt.s32 v13, $0xE;
	v19 =	vadd.s32 v3, v10;
	[tilespmem:v11+s5+$0x0] =	vst.idx.add.f32.msk $0xffff, v0;
	v0 =	vmov v20  }
0x5e: {  	s4 =	sadd.s32 $0x40, s4;
	vm2 =	vlt.s32 v12, $0xE;
	v20 =	vadd.s32 v5, v10;
	vm1 =	vlt.s32 v7, $0xE;
	[tilespmem:v8+s5+$0x0] =	vst.idx.add.f32.msk $0xffff, v22  }
0x5f: {  	v8 =	vnsel vm0, $0xE, v13;
	v22 =	vadd.s32 v6, v10;
	v7 =	vnsel vm1, $0xE, v7;
	v21 =	vld [tilespmem:s4+$0x10]  }
.Ltmp0:
0x60: {  	v23 =	vnsel vm2, $0xE, v12;
	v10 =	vld [tilespmem:s4+$0xFFFFFFE0];
	v17 =	vadd.s32 v3, v7;
	v16 =	vadd.s32 v5, v7;
	(pc) =	sbr.rel @p0 .LBB2_1-.Ltmp0, $4  }
0x61: {  	v15 =	vadd.s32 v3, v8;
	v13 =	vadd.s32 v5, v8;
	v14 =	vadd.s32 v6, v7;
	v7 =	vld [tilespmem:s4+$0xFFFFFFF0]  }
0x62: {  	v12 =	vadd.s32 v6, v8;
	v9 =	vadd.s32 v3, v23;
	[tilespmem:v19+s5+$0x0] =	vst.idx.add.f32.msk $0xffff, v2  }
0x63: {  	v11 =	vadd.s32 v5, v23;
	v8 =	vadd.s32 v6, v23;
	[tilespmem:v20+s5+$0x0] =	vst.idx.add.f32.msk $0xffff, v18  }
0x64: {  	s7 =	sadd.s32 $0x40, s7;
	[tilespmem:v22+s5+$0x0] =	vst.idx.add.f32.msk $0xffff, v21  }
0x65: {  	_ =	sdelay $0x2  }
0x66: {  	v3 =	vld [tilespmem:s4+$0x0]  }
0x67: {  	[tilespmem:v17+s5+$0x0] =	vst.idx.add.f32.msk $0xffff, v2  }
0x68: {  	[tilespmem:v15+s5+$0x0] =	vst.idx.add.f32.msk $0xffff, v2  }
0x69: {  	[tilespmem:v9+s5+$0x0] =	vst.idx.add.f32.msk $0xffff, v2  }
0x6a: {  	[tilespmem:v16+s5+$0x0] =	vst.idx.add.f32.msk $0xffff, v4  }
0x6b: {  	[tilespmem:v13+s5+$0x0] =	vst.idx.add.f32.msk $0xffff, v1  }
0x6c: {  	[tilespmem:v11+s5+$0x0] =	vst.idx.add.f32.msk $0xffff, v0  }
0x6d: {  	[tilespmem:v14+s5+$0x0] =	vst.idx.add.f32.msk $0xffff, v10  }
0x6e: {  	[tilespmem:v12+s5+$0x0] =	vst.idx.add.f32.msk $0xffff, v7  }
0x6f: {  	[tilespmem:v8+s5+$0x0] =	vst.idx.add.f32.msk $0xffff, v3  }
0x70: {  	v0 =	vld [tilespmem:$0xCC00]  }
0x71: {  	v1 =	vld [tilespmem:$0xCC10]  }
0x72: {  	v2 =	vld [tilespmem:$0xCC20]  }
0x73: {  	v3 =	vld [tilespmem:$0xCC30]  }
0x74: {  	v4 =	vld [tilespmem:$0xCC40]  }
0x75: {  	v5 =	vld [tilespmem:$0xCC50]  }
0x76: {  	v6 =	vld [tilespmem:$0xCC60]  }
0x77: {  	v7 =	vld [tilespmem:$0xCC70]  }
0x78: {  	v8 =	vld [tilespmem:$0xCC80]  }
0x79: {  	v9 =	vld [tilespmem:$0xCC90]  }
0x7a: {  	v10 =	vld [tilespmem:$0xCCA0]  }
0x7b: {  	v11 =	vld [tilespmem:$0xCCB0]  }
0x7c: {  	v12 =	vld [tilespmem:$0xCCC0]  }
0x7d: {  	v13 =	vld [tilespmem:$0xCCD0]  }
0x7e: {  	v14 =	vld [tilespmem:$0xCCE0]  }
0x7f: {  	v15 =	vld [tilespmem:$0xCCF0]  }
0x80: {  	v16 =	vld [tilespmem:$0xCD00]  }
0x81: {  	v17 =	vld [tilespmem:$0xCD10]  }
0x82: {  	v18 =	vld [tilespmem:$0xCE00]  }
0x83: {  	v19 =	vld [tilespmem:$0xCE10]  }
0x84: {  	v20 =	vld [tilespmem:$0xCD20]  }
0x85: {  	v21 =	vld [tilespmem:$0xCE20]  }
0x86: {  	v0 =	vadd.f32 v1, v0;
	v1 =	vld [tilespmem:$0xCD30]  }
0x87: {  	v43 =	vld [tilespmem:$0xCE30];
	v16 =	vadd.f32 v17, v16  }
0x88: {  	v44 =	vld [tilespmem:$0xCD40];
	v0 =	vadd.f32 v2, v0;
	v2 =	vadd.f32 v19, v18  }
0x89: {  	v45 =	vld [tilespmem:$0xCE40];
	v16 =	vadd.f32 v20, v16  }
0x8a: {  	v0 =	vadd.f32 v3, v0;
	v2 =	vadd.f32 v21, v2;
	v3 =	vld [tilespmem:$0xCD50]  }
0x8b: {  	v46 =	vld [tilespmem:$0xCE50];
	v1 =	vadd.f32 v1, v16  }
0x8c: {  	v47 =	vld [tilespmem:$0xCD60];
	v0 =	vadd.f32 v4, v0;
	v2 =	vadd.f32 v43, v2  }
0x8d: {  	v48 =	vld [tilespmem:$0xCE60];
	v1 =	vadd.f32 v44, v1  }
0x8e: {  	v49 =	vld [tilespmem:$0xCD70];
	v0 =	vadd.f32 v5, v0;
	v2 =	vadd.f32 v45, v2  }
0x8f: {  	v1 =	vadd.f32 v3, v1;
	v3 =	vld [tilespmem:$0xCE70]  }
0x90: {  	v50 =	vld [tilespmem:$0xCD80];
	v0 =	vadd.f32 v6, v0;
	v2 =	vadd.f32 v46, v2  }
0x91: {  	v51 =	vld [tilespmem:$0xCE80];
	v1 =	vadd.f32 v47, v1  }
0x92: {  	v52 =	vld [tilespmem:$0xCD90];
	v0 =	vadd.f32 v7, v0;
	v2 =	vadd.f32 v48, v2  }
0x93: {  	v53 =	vld [tilespmem:$0xCE90];
	v1 =	vadd.f32 v49, v1  }
0x94: {  	v54 =	vld [tilespmem:$0xCDA0];
	v0 =	vadd.f32 v8, v0;
	v2 =	vadd.f32 v3, v2  }
0x95: {  	v3 =	vld [tilespmem:$0xCEA0];
	v1 =	vadd.f32 v50, v1  }
0x96: {  	v55 =	vld [tilespmem:$0xCDB0];
	v0 =	vadd.f32 v9, v0;
	v2 =	vadd.f32 v51, v2  }
0x97: {  	v56 =	vld [tilespmem:$0xCEB0];
	v1 =	vadd.f32 v52, v1  }
0x98: {  	v57 =	vld [tilespmem:$0xCDC0];
	v0 =	vadd.f32 v10, v0;
	v2 =	vadd.f32 v53, v2  }
0x99: {  	v58 =	vld [tilespmem:$0xCEC0];
	v1 =	vadd.f32 v54, v1  }
0x9a: {  	v59 =	vld [tilespmem:$0xCDD0];
	v0 =	vadd.f32 v11, v0;
	v2 =	vadd.f32 v3, v2  }
0x9b: {  	v3 =	vld [tilespmem:$0xCED0];
	v1 =	vadd.f32 v55, v1  }
0x9c: {  	v60 =	vld [tilespmem:$0xCDE0];
	v0 =	vadd.f32 v12, v0;
	v2 =	vadd.f32 v56, v2  }
0x9d: {  	v61 =	vld [tilespmem:$0xCEE0];
	v1 =	vadd.f32 v57, v1  }
0x9e: {  	v62 =	vld [tilespmem:$0xCDF0];
	v0 =	vadd.f32 v13, v0;
	v2 =	vadd.f32 v58, v2  }
0x9f: {  	v63 =	vld [tilespmem:$0xCEF0];
	v1 =	vadd.f32 v59, v1  }
0xa0: {  	v0 =	vadd.f32 v14, v0;
	v2 =	vadd.f32 v3, v2  }
0xa1: {  	v1 =	vadd.f32 v60, v1  }
0xa2: {  	v0 =	vadd.f32 v15, v0;
	v2 =	vadd.f32 v61, v2  }
0xa3: {  	v1 =	vadd.f32 v62, v1  }
0xa4: {  	[tilespmem:$0xCF00] =	vst v0;
	v0 =	vadd.f32 v63, v2  }
0xa5: {  	[tilespmem:$0xCF10] =	vst v1  }
0xa6: {  	s30 =	sshll.u32 s2, $0x6;
	[tilespmem:$0xCF20] =	vst v0;
	v0 =	vimm.f32 $0.0e+00  }
0xa7: {  	s31 =	simm.s32 $0xCF00;
	s4 =	sadd.s32 s30, s1;
	[tilespmem:$0xCF30] =	vst v0  }
0xa8: {  	[spmem:s4] =	stream.linear.scatter [tilespmem:s31], [sflag:$0x1], $0x40, $0x38;
	[tilespmem:$0xD440] =	vst v63  }
0xa9: {  	s4 =	simm.s32 $0x1  }
0xaa: {  	_ =	swait.ge [sflag:s4], $0x40  }
0xab: {  	[sflag:s4] =	ssyncset.done $0x0  }
0xac: {  	[sflag:s4] =	ssyncadd.s32 $0xFFFFFFC0  }
0xad: {  	p0 =	sne.s32 s2, $0x0;
	[bflag:$0x0] =	sbarrier.arrive $0xFFFF  }
0xae: {  	_ =	sfence.sel @p0 $0x180000  }
0xaf: {  	[bflag:$0x0] =	sbarrier.arrive @p0 $0xFFFF  }
0xb0: {  	_ =	strace @p0 $0x90000047  }
0xb1: {  	[bflag:$0x2] =	sbarrier.arrive @p0 $0xFFFF  }
0xb2: {  	_ =	shalt @p0  }
.LBB2_3:
0xb3: {  	s2 =	simm.s32 $0xCFC0  }
0xb4: {  	[tilespmem:s2], [sflag:$0x1] =	stream.linear.gather [spmem:s1], $0x400, $0x38;
	[tilespmem:$0xD440] =	vst v63  }
0xb5: {  	_ =	swait.ge [sflag:s4], $0x400  }
0xb6: {  	[sflag:s4] =	ssyncset.done $0x0  }
0xb7: {  	[sflag:s4] =	ssyncadd.s32 $0xFFFFFC00  }
0xb8: {  	v1 =	vld [tilespmem:$0xCFC0]  }
0xb9: {  	v2 =	vld [tilespmem:$0xD000]  }
0xba: {  	v3 =	vld [tilespmem:$0xD040]  }
0xbb: {  	v4 =	vld [tilespmem:$0xD080]  }
0xbc: {  	v5 =	vld [tilespmem:$0xD0C0]  }
0xbd: {  	v6 =	vld [tilespmem:$0xD100]  }
0xbe: {  	v7 =	vld [tilespmem:$0xD140]  }
0xbf: {  	v8 =	vld [tilespmem:$0xD180]  }
0xc0: {  	v9 =	vld [tilespmem:$0xD1C0]  }
0xc1: {  	v10 =	vld [tilespmem:$0xD200]  }
0xc2: {  	v11 =	vld [tilespmem:$0xD240]  }
0xc3: {  	v12 =	vld [tilespmem:$0xD280]  }
0xc4: {  	v13 =	vld [tilespmem:$0xD2C0]  }
0xc5: {  	v14 =	vld [tilespmem:$0xD300]  }
0xc6: {  	v15 =	vld [tilespmem:$0xD340]  }
0xc7: {  	v16 =	vld [tilespmem:$0xD380]  }
0xc8: {  	v17 =	vld [tilespmem:$0xCFD0]  }
0xc9: {  	v18 =	vld [tilespmem:$0xD010]  }
0xca: {  	v19 =	vld [tilespmem:$0xCFE0]  }
0xcb: {  	v20 =	vld [tilespmem:$0xD020]  }
0xcc: {  	v21 =	vld [tilespmem:$0xD050]  }
0xcd: {  	v22 =	vld [tilespmem:$0xD060]  }
0xce: {  	v37 =	vld [tilespmem:$0xD090];
	v1 =	vadd.f32 v2, v1  }
0xcf: {  	v38 =	vld [tilespmem:$0xD0A0];
	v17 =	vadd.f32 v18, v17  }
0xd0: {  	v40 =	vld [tilespmem:$0xD0D0];
	v39 =	vadd.f32 v20, v19;
	v1 =	vadd.f32 v3, v1  }
0xd1: {  	v41 =	vld [tilespmem:$0xD0E0];
	v17 =	vadd.f32 v21, v17  }
0xd2: {  	v42 =	vld [tilespmem:$0xD110];
	v3 =	vadd.f32 v22, v39;
	v1 =	vadd.f32 v4, v1  }
0xd3: {  	v43 =	vld [tilespmem:$0xD120];
	v2 =	vadd.f32 v37, v17  }
0xd4: {  	v44 =	vld [tilespmem:$0xD150];
	v3 =	vadd.f32 v38, v3;
	v1 =	vadd.f32 v5, v1  }
0xd5: {  	v45 =	vld [tilespmem:$0xD160];
	v2 =	vadd.f32 v40, v2  }
0xd6: {  	v46 =	vld [tilespmem:$0xD190];
	v3 =	vadd.f32 v41, v3;
	v1 =	vadd.f32 v6, v1  }
0xd7: {  	v47 =	vld [tilespmem:$0xD1A0];
	v2 =	vadd.f32 v42, v2  }
0xd8: {  	v48 =	vld [tilespmem:$0xD1D0];
	v3 =	vadd.f32 v43, v3;
	v1 =	vadd.f32 v7, v1  }
0xd9: {  	v49 =	vld [tilespmem:$0xD1E0];
	v2 =	vadd.f32 v44, v2  }
0xda: {  	v50 =	vld [tilespmem:$0xD210];
	v3 =	vadd.f32 v45, v3;
	v1 =	vadd.f32 v8, v1  }
0xdb: {  	v51 =	vld [tilespmem:$0xD220];
	v2 =	vadd.f32 v46, v2  }
0xdc: {  	v52 =	vld [tilespmem:$0xD250];
	v3 =	vadd.f32 v47, v3;
	v1 =	vadd.f32 v9, v1  }
0xdd: {  	v53 =	vld [tilespmem:$0xD260];
	v2 =	vadd.f32 v48, v2  }
0xde: {  	v54 =	vld [tilespmem:$0xD290];
	v3 =	vadd.f32 v49, v3;
	v1 =	vadd.f32 v10, v1  }
0xdf: {  	v55 =	vld [tilespmem:$0xD2A0];
	v2 =	vadd.f32 v50, v2  }
0xe0: {  	v56 =	vld [tilespmem:$0xD2D0];
	v3 =	vadd.f32 v51, v3;
	v1 =	vadd.f32 v11, v1  }
0xe1: {  	v57 =	vld [tilespmem:$0xD2E0];
	v2 =	vadd.f32 v52, v2  }
0xe2: {  	v58 =	vld [tilespmem:$0xD310];
	v3 =	vadd.f32 v53, v3;
	v1 =	vadd.f32 v12, v1  }
0xe3: {  	v59 =	vld [tilespmem:$0xD320];
	v2 =	vadd.f32 v54, v2  }
0xe4: {  	v60 =	vld [tilespmem:$0xD350];
	v3 =	vadd.f32 v55, v3;
	v1 =	vadd.f32 v13, v1  }
0xe5: {  	v61 =	vld [tilespmem:$0xD360];
	v2 =	vadd.f32 v56, v2  }
0xe6: {  	v62 =	vld [tilespmem:$0xD390];
	v3 =	vadd.f32 v57, v3;
	v1 =	vadd.f32 v14, v1  }
0xe7: {  	v63 =	vld [tilespmem:$0xD3A0];
	v2 =	vadd.f32 v58, v2  }
0xe8: {  	v3 =	vadd.f32 v59, v3;
	v1 =	vadd.f32 v15, v1  }
0xe9: {  	v2 =	vadd.f32 v60, v2  }
0xea: {  	v3 =	vadd.f32 v61, v3;
	v1 =	vadd.f32 v16, v1  }
0xeb: {  	[tilespmem:$0xD3F0] =	vst v0;
	v2 =	vadd.f32 v62, v2  }
0xec: {  	v3 =	vadd.f32 v63, v3;
	[tilespmem:$0xD3C0] =	vst v1  }
0xed: {  	[tilespmem:$0xD3D0] =	vst v2  }
0xee: {  	s30 =	simm.s32 $0x0;
	s31 =	simm.s32 $0xD3C0;
	[tilespmem:$0xD3E0] =	vst v3  }
0xef: {  	[hbm4b:s3+s30] =	stream.linear.scatter [tilespmem:s31], [sflag:$0x1], $0x80, $0x38;
	[tilespmem:$0xD440] =	vst v63  }
0xf0: {  	_ =	swait.ge [sflag:s4], $0x80  }
0xf1: {  	[sflag:s4] =	ssyncset.done $0x0  }
0xf2: {  	[sflag:s4] =	ssyncadd.s32 $0xFFFFFF80  }
0xf3: {  	_ =	sfence.sel $0x180000  }
0xf4: {  	[bflag:$0x0] =	sbarrier.arrive $0xFFFF  }
0xf5: {  	_ =	strace $0x90000047  }
0xf6: {  	s0 =	sadd.s32 $0x100000, s0;
	[bflag:$0x2] =	sbarrier.arrive $0xFFFF  }
0xf7: {  	[sflag:s0] =	ssyncadd.tile.s32 $0x1;
	_ =	shalt  }
.Lfunc_end2:
_tile_overlayer_lowered:
.L_overlay_start_2:
0xf8: {  	(tag) =	ssettag $0x2  }
0xf9: {  	s0 =	rddreg [dreg:$0x0];
	s2 =	stileid.u32  }
0xfa: {  	s1 =	rddreg [dreg:$0x1];
	p0 =	sne.s32 s2, $0x0  }
0xfb: {  	s3 =	rddreg [dreg:$0x2];
	[bflag:$0x3] =	sbarrier.arrive $0xFFFF;
	s2 =	simm.s32 @!p0 $0x1C01  }
0xfc: {  	[timem:s3], [sflag:s2] =	dma.local @!p0 [hbm:s0], s1  }
0xfd: {  	s0 =	simm.s32 @!p0 $0x1  }
0xfe: {  	_ =	swait.ge @!p0 [sflag:s0], s1  }
0xff: {  	s1 =	ssub.s32 @!p0 $0x0, s1;
	[sflag:s0] =	ssyncset.done @!p0 $0x0  }
0x100: {  	[sflag:s0] =	ssyncadd.s32 @!p0 s1  }
0x101: {  	[bflag:$0x3] =	sbarrier.arrive $0xFFFF  }
0x102: {  	_ =	shalt  }

// kernel: kernel.9.cloned.1.call-start
scs
__scs_entry_jumppad:
0x0: {  	(pc) =	sbr.rel $0x88, $3  }
0x1: {  	(tag) =	ssettag $0x0;
	lr =	simm.s32 $0x1  }
0x2: {  	[smem:$0x3F9F] =	sst lr;
	_ =	strace $0xD0000000  }
0x3: {  	_ = 	snop  }
0x4: {  	_ = 	snop  }
0x5: {  	_ = 	snop  }
0x6: {  	_ = 	snop  }
0x7: {  	_ = 	snop  }
__scs_overlays_trampoline_lowered:
0x8: {  	[smem:$0x3FAE] =	sst s0  }
0x9: {  	[smem:$0x3FAF] =	sst s1  }
0xa: {  	[smem:$0x3FB0] =	sst s2  }
0xb: {  	[smem:$0x3FB1] =	sst s3  }
0xc: {  	[smem:$0x3FB2] =	sst s4  }
0xd: {  	[smem:$0x3FB3] =	sst s5  }
0xe: {  	[smem:$0x3FB4] =	sst s6  }
0xf: {  	[smem:$0x3FB5] =	sst s7  }
0x10: {  	[smem:$0x3FB6] =	sst s8  }
0x11: {  	[smem:$0x3FB7] =	sst s9;
	s0 =	simm.s32 @!p0 $0x0  }
0x12: {  	s1 =	sld [smem:$0x3F9D];
	s0 =	simm.s32 @p0 $0x1  }
0x13: {  	[smem:$0x3FB8] =	sst s0;
	s0 =	simm.s32 @!p1 $0x0  }
0x14: {  	s2 =	sld [smem:$0x3F9C];
	s0 =	simm.s32 @p1 $0x1  }
0x15: {  	[smem:$0x3FB9] =	sst s0;
	s0 =	simm.s32 @!p2 $0x0  }
0x16: {  	s3 =	sld [smem:$0x3FDB];
	s0 =	simm.s32 @p2 $0x1  }
0x17: {  	s4 =	simm.s32 $0x1BF5;
	[smem:$0x3FBB] =	sst s0  }
0x18: {  	s0 =	sld [smem:$0x3F9E];
	_ =	swait.ge [sflag:s4], $0x0  }
0x19: {  	s7 =	sld [smem:$0x3F9F]  }
0x1a: {  	s8 =	sadd.s32 $0xFFFFE003, lr  }
0x1b: {  	s9 =	sadd.s32 $0xFFFFFEF7, lr;
	s5 =	simm.s32 $0xFFFFFFFF;
	p2 =	slt.u32 s8, $0xFFFFF086  }
0x1c: {  	p1 =	slt.u32 s9, $0xF7A;
	s5 =	simm.s32 @!p2 $0x0  }
0x1d: {  	s5 =	simm.s32 @p1 $0x1;
	p0 =	seq.s32 s7, s2  }
0x1e: {  	s7 =	smul.u32 @!p0 $0xF7A, s2;
	p2 =	seq.s32 @!p0 s5, $0x0  }
0x1f: {  	s9 =	smul.u32 $0xF7A, s1;
	s8 =	simm.s32 @!p0 $0x1BF5;
	p2 =	por !p2, p0  }
0x20: {  	[sflag:s8] =	ssyncset.s32 @!p0 $0xFFFFF086;
	s6 =	sadd.s32 @!p0 s3, s7;
	s7 =	simm.s32 @!p0 $0x108  }
0x21: {  	s3 =	sadd.s32 s3, s9;
	s6 =	sadd.s32 @!p0 $0x88, s6;
	s7 =	simm.s32 @p2 $0x1082  }
0x22: {  	[simem:s7], [sflag:s8] =	dma.local @!p0 [hbm:s6], $0xF7A  }
0x23: {  	s9 =	sor.u32 $0xD0000000, s2;
	s6 =	simm.s32 $0x108;
	_ =	swait.ge @!p0 [sflag:s8], $0x0  }
0x24: {  	s3 =	sadd.s32 $0x88, s3;
	s6 =	simm.s32 @!p1 $0x1082;
	[sflag:s4] =	ssyncset.s32 $0xFFFFF086  }
0x25: {  	[simem:s6], [sflag:s4] =	dma.local [hbm:s3], $0xF7A  }
0x26: {  	[smem:$0x3F9F] =	sst s1;
	(tag) =	ssettag s2;
	_ =	strace s9  }
0x27: {  	s1 =	sld [smem:$0x3FAF]  }
0x28: {  	s2 =	sld [smem:$0x3FB0]  }
0x29: {  	s4 =	sld [smem:$0x3FB2]  }
0x2a: {  	p0 =	seq.s32 s5, $0x0;
	s5 =	sld [smem:$0x3FB3]  }
0x2b: {  	s6 =	sld [smem:$0x3FB4]  }
0x2c: {  	s7 =	sld [smem:$0x3FB5]  }
0x2d: {  	s3 =	simm.s32 $0x108;
	s8 =	sld [smem:$0x3FB6]  }
0x2e: {  	s3 =	simm.s32 @!p0 $0x1082;
	s9 =	sld [smem:$0x3FB7]  }
0x2f: {  	lr =	sadd.s32 s0, s3;
	s0 =	sld [smem:$0x3FAE]  }
0x30: {  	s3 =	sld [smem:$0x3FB1]  }
0x31: {  	[smem:$0x3FBA] =	sst s10  }
0x32: {  	s10 =	sld [smem:$0x3FB8];
	_ =	sdelay $0x3  }
0x33: {  	p0 =	seq.s32 s10, $0x1;
	s10 =	sld [smem:$0x3FBA];
	_ =	sdelay $0x3  }
0x34: {  	[smem:$0x3FBA] =	sst s10  }
0x35: {  	s10 =	sld [smem:$0x3FB9];
	_ =	sdelay $0x3  }
0x36: {  	p1 =	seq.s32 s10, $0x1;
	s10 =	sld [smem:$0x3FBA];
	_ =	sdelay $0x3  }
0x37: {  	[smem:$0x3FBA] =	sst s10  }
0x38: {  	s10 =	sld [smem:$0x3FBB]  }
0x39: {  	_ = 	snop;
	(pc) =	sbr.ind lr, $3  }
0x3a: {  	_ = 	snop  }
0x3b: {  	_ = 	snop  }
0x3c: {  	p2 =	seq.s32 s10, $0x1;
	s10 =	sld [smem:$0x3FBA]  }
0x3d: {  	_ =	shalt  }
0x3e: {  	_ =	shalt  }
0x3f: {  	_ =	shalt  }
0x40: {  	_ =	shalt  }
0x41: {  	_ =	shalt  }
0x42: {  	_ =	shalt  }
0x43: {  	_ =	shalt  }
0x44: {  	_ =	shalt  }
0x45: {  	_ =	shalt  }
0x46: {  	_ =	shalt  }
0x47: {  	_ =	shalt  }
0x48: {  	_ =	shalt  }
0x49: {  	_ =	shalt  }
0x4a: {  	_ =	shalt  }
0x4b: {  	_ =	shalt  }
0x4c: {  	_ =	shalt  }
0x4d: {  	_ =	shalt  }
0x4e: {  	_ =	shalt  }
0x4f: {  	_ =	shalt  }
0x50: {  	_ =	shalt  }
0x51: {  	_ =	shalt  }
0x52: {  	_ =	shalt  }
0x53: {  	_ =	shalt  }
0x54: {  	_ =	shalt  }
0x55: {  	_ =	shalt  }
0x56: {  	_ =	shalt  }
0x57: {  	_ =	shalt  }
0x58: {  	_ =	shalt  }
0x59: {  	_ =	shalt  }
0x5a: {  	_ =	shalt  }
0x5b: {  	_ =	shalt  }
0x5c: {  	_ =	shalt  }
0x5d: {  	_ =	shalt  }
0x5e: {  	_ =	shalt  }
0x5f: {  	_ =	shalt  }
0x60: {  	_ =	shalt  }
0x61: {  	_ =	shalt  }
0x62: {  	_ =	shalt  }
0x63: {  	_ =	shalt  }
0x64: {  	_ =	shalt  }
0x65: {  	_ =	shalt  }
0x66: {  	_ =	shalt  }
0x67: {  	_ =	shalt  }
0x68: {  	_ =	shalt  }
0x69: {  	_ =	shalt  }
0x6a: {  	_ =	shalt  }
0x6b: {  	_ =	shalt  }
0x6c: {  	_ =	shalt  }
0x6d: {  	_ =	shalt  }
0x6e: {  	_ =	shalt  }
0x6f: {  	_ =	shalt  }
0x70: {  	_ =	shalt  }
0x71: {  	_ =	shalt  }
0x72: {  	_ =	shalt  }
0x73: {  	_ =	shalt  }
0x74: {  	_ =	shalt  }
0x75: {  	_ =	shalt  }
0x76: {  	_ =	shalt  }
0x77: {  	_ =	shalt  }
0x78: {  	_ =	shalt  }
0x79: {  	_ =	shalt  }
0x7a: {  	_ =	shalt  }
0x7b: {  	_ =	shalt  }
0x7c: {  	_ =	shalt  }
0x7d: {  	_ =	shalt  }
0x7e: {  	_ =	shalt  }
0x7f: {  	_ =	shalt  }
0x80: {  	_ =	shalt  }
0x81: {  	_ =	shalt  }
0x82: {  	_ =	shalt  }
0x83: {  	_ =	shalt  }
0x84: {  	_ =	shalt  }
0x85: {  	_ =	shalt  }
0x86: {  	_ =	shalt  }
0x87: {  	_ =	shalt  }
.Lfunc_end0:
.L_simem_size_0:
called_computation.1_lowered:
.L_overlay_start_0:
0x88: {  	s0 =	sld [smem:$0x3FD9]  }
0x89: {  	s1 =	sld [smem:$0x3FFE];
	_ =	sdelay $0x3  }
0x8a: {  	s0 =	sadd.s32 s1, s0  }
0x8b: {  	[smem:$0x3FC6] =	sst s0  }
0x8c: {  	_ = 	snop  }
0x8d: {  	s0 =	sld [smem:$0x3FD0];
	(tm) =	ssettm $0x1  }
0x8e: {  	s16 =	sld [smem:$0x3FFB];
	_ =	sdelay $0x3  }
0x8f: {  	_ =	strace s16  }
0x90: {  	s1 =	sld [smem:$0x3FFC];
	_ =	sdelay $0x3  }
0x91: {  	_ =	strace s1  }
0x92: {  	s1 =	sld [smem:$0x3FFD];
	_ =	sdelay $0x3  }
0x93: {  	_ =	strace s1  }
0x94: {  	_ =	strace $0x8FFFFFFF  }
0x95: {  	s17 =	sld [smem:$0x3FDB];
	_ =	sdelay $0x1  }
0x96: {  	s2 =	simm.s32 $_scs_section_size  }
0x97: {  	s3 =	simm.s32 $_size__tile_overlayer_lowered;
	s4 =	simm.s32 $_tile_overlayer_lowered  }
0x98: {  	s20 =	simm.s32 $0x1BFF;
	s19 =	sshll.u32 s4, $0x1;
	s1 =	sadd.s32 s2, s17  }
0x99: {  	s5 =	simm.s32 $0x0;
	s18 =	sshll.u32 s3, $0x1;
	s3 =	sadd.s32 s19, s1  }
0x9a: {  	[timem:s5], [sflag:s20] =	dma.local [hbm:s3], s18  }
0x9b: {  	_ =	swait.ge [sflag:s20], s18  }
0x9c: {  	s2 =	ssub.s32 $0x0, s18;
	[sflag:s20] =	ssyncset.done $0x0  }
0x9d: {  	[sflag:s20] =	ssyncadd.s32 s2;
	_ =	sdelay $0x1  }
0x9e: {  	s21 =	simm.s32 $0x1B8B  }
0x9f: {  	_ =	swait.ge [sflag:s21], $0x1  }
0xa0: {  	[sflag:s21] =	ssyncset.done $0x0  }
0xa1: {  	s23 =	simm.s32 $0x1B8E;
	s22 =	sld [smem:$0x3FFE];
	[sflag:s21] =	ssyncadd.s32 $0xFFFFFFFF  }
0xa2: {  	s24 =	simm.s32 $execute0_lowered;
	[smem:$0x3FD2] =	sst s23  }
0xa3: {  	s3 =	sshll.u32 s24, $0x1;
	_ =	strace $0x80000049;
	[dreg:$0x1] =	wrdreg $0xFFFFFFFF  }
0xa4: {  	s25 =	simm.s32 $_size_execute0_lowered;
	s1 =	sadd.s32 s1, s3;
	[dreg:$0x0] =	wrdreg $0x0  }
0xa5: {  	s3 =	sshll.u32 s25, $0x1;
	[dreg:$0x2] =	wrdreg s1  }
0xa6: {  	[dreg:$0x3] =	wrdreg s3  }
0xa7: {  	[dreg:$0x4] =	wrdreg $0xC0  }
0xa8: {  	_ =	task [dreg:s5], $0x5FFFF  }
0xa9: {  	[dreg:$0x1] =	wrdreg $0xFFFFFFFF  }
0xaa: {  	[dreg:$0x0] =	wrdreg $0x60  }
0xab: {  	[dreg:$0x2] =	wrdreg s22  }
0xac: {  	[dreg:$0x3] =	wrdreg s0  }
0xad: {  	[dreg:$0x4] =	wrdreg $0x2D800  }
0xae: {  	[dreg:$0x5] =	wrdreg $0x9  }
0xaf: {  	_ =	task.clear_ibuf [dreg:s5], $0x6FFFF;
	_ =	strace $0x90000049  }
0xb0: {  	s26 =	simm.s32 $0x9;
	_ =	strace $0x8000004B  }
0xb1: {  	_ =	swait.ge [sflag:s26], $0x1  }
0xb2: {  	[sflag:s26] =	ssyncadd.s32 $0xFFFFFFFF  }
0xb3: {  	_ =	strace $0x9000004B  }
0xb4: {  	_ =	sfence  }
0xb5: {  	s28 =	sld [smem:$0x0];
	_ =	sdelay $0x1  }
0xb6: {  	s29 =	srdreg.scid  }
0xb7: {  	s30 =	sshll.u32 s29, $0xD;
	s31 =	sshrl.u32 s29, $0x2  }
0xb8: {  	s2 =	sand.u32 $0x4000, s30;
	s1 =	sand.u32 $0x1, s29;
	s0 =	sadd.s32 s31, s28  }
0xb9: {  	s1 =	sor.u32 s2, s1;
	s0 =	sshll.u32 s0, $0x11  }
0xba: {  	s0 =	sor.u32 s0, s1  }
0xbb: {  	s0 =	sadd.s32 $0x8F2B, s0  }
0xbc: {  	[sflag:s0] =	ssyncadd.remote.s32 $0x1  }
0xbd: {  	_ =	sfence.sel $0xFFFF  }
0xbe: {  	[dreg:$0x0] =	wrdreg $0xFFFFFFFF;
	(pc) =	sbr.abs _section_cstart, $3  }
0xbf: {  	[dreg:$0x1] =	wrdreg $0xFFFFFFFF  }
0xc0: {  	_ =	task.clear_ibuf [dreg:s5], $0x2FFFF;
	_ =	strace $0x9FFFFFFF  }
0xc1: {  	(tm) =	ssettm $0x7FFFFFFF  }
tec
execute0_lowered:
.L_overlay_start_1:
0x0: {  	(tag) =	ssettag $0x1  }
0x1: {  	s4 =	rddreg [dreg:$0x0];
	s3 =	stileid.u32  }
0x2: {  	s1 =	rddreg [dreg:$0x1];
	s5 =	smul.u32 $0x1500, s3  }
0x3: {  	s2 =	rddreg [dreg:$0x2]  }
0x4: {  	s0 =	rddreg [dreg:$0x3];
	s6 =	simm.s32 $0x0;
	s7 =	sshrl.u32 s5, $0x3  }
0x5: {  	[smem:$0x7FF] =	sst s6;
	s7 =	sadd.s32 s7, s4  }
0x6: {  	s30 =	simm.s32 $0x1;
	_ =	strace $0x8000004A;
	s8 =	sadd.s32 $0x1B000, s7  }
0x7: {  	[tilespmem:s6], [sflag:$0x1] =	stream.linear.gather [hbm4b:s8+s6], $0x1500, $0x38;
	[tilespmem:$0x32C0] =	vst v63  }
0x8: {  	_ =	swait.ge [sflag:s30], $0x1500  }
0x9: {  	[sflag:s30] =	ssyncset.done $0x0  }
0xa: {  	s9 =	simm.s32 $0x1500;
	s7 =	sadd.s32 $0x1DA00, s7;
	[sflag:s30] =	ssyncadd.s32 $0xFFFFEB00  }
0xb: {  	[tilespmem:s9], [sflag:$0x1] =	stream.linear.gather [hbm4b:s7+s6], $0x1500, $0x38;
	[tilespmem:$0x32C0] =	vst v63  }
0xc: {  	_ =	swait.ge [sflag:s30], $0x1500  }
0xd: {  	[sflag:s30] =	ssyncset.done $0x0  }
0xe: {  	v0 =	vimm.f32 $0.0e+00;
	[sflag:s30] =	ssyncadd.s32 $0xFFFFEB00  }
0xf: {  	[tilespmem:$0x2A00] =	vst v0  }
0x10: {  	[tilespmem:$0x2A10] =	vst v0  }
0x11: {  	[tilespmem:$0x2A20] =	vst v0  }
0x12: {  	[tilespmem:$0x2A30] =	vst v0  }
0x13: {  	[tilespmem:$0x2A40] =	vst v0  }
0x14: {  	[tilespmem:$0x2A50] =	vst v0  }
0x15: {  	[tilespmem:$0x2A60] =	vst v0  }
0x16: {  	[tilespmem:$0x2A70] =	vst v0  }
0x17: {  	[tilespmem:$0x2A80] =	vst v0  }
0x18: {  	[tilespmem:$0x2A90] =	vst v0  }
0x19: {  	[tilespmem:$0x2AA0] =	vst v0  }
0x1a: {  	[tilespmem:$0x2AB0] =	vst v0  }
0x1b: {  	[tilespmem:$0x2AC0] =	vst v0  }
0x1c: {  	[tilespmem:$0x2AD0] =	vst v0  }
0x1d: {  	[tilespmem:$0x2AE0] =	vst v0  }
0x1e: {  	[tilespmem:$0x2AF0] =	vst v0  }
0x1f: {  	[tilespmem:$0x2B00] =	vst v0  }
0x20: {  	[tilespmem:$0x2B10] =	vst v0  }
0x21: {  	[tilespmem:$0x2B20] =	vst v0  }
0x22: {  	[tilespmem:$0x2B30] =	vst v0  }
0x23: {  	[tilespmem:$0x2B40] =	vst v0  }
0x24: {  	[tilespmem:$0x2B50] =	vst v0  }
0x25: {  	[tilespmem:$0x2B60] =	vst v0  }
0x26: {  	[tilespmem:$0x2B70] =	vst v0  }
0x27: {  	[tilespmem:$0x2B80] =	vst v0  }
0x28: {  	[tilespmem:$0x2B90] =	vst v0  }
0x29: {  	[tilespmem:$0x2BA0] =	vst v0  }
0x2a: {  	[tilespmem:$0x2BB0] =	vst v0  }
0x2b: {  	[tilespmem:$0x2BC0] =	vst v0  }
0x2c: {  	[tilespmem:$0x2BD0] =	vst v0  }
0x2d: {  	[tilespmem:$0x2BE0] =	vst v0  }
0x2e: {  	[tilespmem:$0x2BF0] =	vst v0  }
0x2f: {  	[tilespmem:$0x2C00] =	vst v0  }
0x30: {  	[tilespmem:$0x2C10] =	vst v0  }
0x31: {  	[tilespmem:$0x2C20] =	vst v0  }
0x32: {  	[tilespmem:$0x2C30] =	vst v0  }
0x33: {  	[tilespmem:$0x2C40] =	vst v0  }
0x34: {  	[tilespmem:$0x2C50] =	vst v0  }
0x35: {  	[tilespmem:$0x2C60] =	vst v0  }
0x36: {  	[tilespmem:$0x2C70] =	vst v0  }
0x37: {  	[tilespmem:$0x2C80] =	vst v0  }
0x38: {  	[tilespmem:$0x2C90] =	vst v0  }
0x39: {  	[tilespmem:$0x2CA0] =	vst v0  }
0x3a: {  	[tilespmem:$0x2CB0] =	vst v0  }
0x3b: {  	[tilespmem:$0x2CC0] =	vst v0  }
0x3c: {  	[tilespmem:$0x2CD0] =	vst v0  }
0x3d: {  	[tilespmem:$0x2CE0] =	vst v0  }
0x3e: {  	s10 =	simm.s32 $0x20;
	[tilespmem:$0x2CF0] =	vst v0  }
0x3f: {  	v8 =	vld [tilespmem:s10+$0x10];
	_ =	sdelay $0x1  }
0x40: {  	v3 =	vld [tilespmem:s10+$0xFFFFFFF0]  }
0x41: {  	v2 =	vld [tilespmem:s10+$0x0]  }
0x42: {  	v6 =	vld [tilespmem:s10+$0xFFFFFFE0]  }
0x43: {  	v7 =	vmul.f32 $1.500000000e+01, v8  }
0x44: {  	v1 =	vlaneseq.u32  }
0x45: {  	v1 =	vmul.u32 $0x10, v1;
	v7 =	vtrunc.f32 v7  }
0x46: {  	v9 =	vmul.f32 $1.500000000e+01, v3;
	v7 =	vcvt.f32.s32 v7  }
0x47: {  	v4 =	vor.u32 $0x100, v1;
	v10 =	vmul.f32 $1.500000000e+01, v2;
	v11 =	vmul.f32 $1.500000000e+01, v6  }
0x48: {  	s5 =	ssub.s32 $0x14120, s5;
	v5 =	vor.u32 $0x200, v1;
	v9 =	vtrunc.f32 v9;
	vm0 =	vlt.s32 v7, $0xE  }
0x49: {  	s5 =	sshrl.u32 s5, $0x4;
	v10 =	vtrunc.f32 v10;
	v11 =	vtrunc.f32 v11;
	v7 =	vnsel vm0, $0xE, v7  }
0x4a: {  	s6 =	smin.u32 s5, $0x150;
	v9 =	vcvt.f32.s32 v9;
	v11 =	vcvt.f32.s32 v11;
	v12 =	vadd.s32 v1, v7  }
0x4b: {  	s9 =	simm.s32 $0x1520;
	s7 =	sand.u32 $0x1F0, s6;
	v0 =	vimm.f32 $1.000000000e+00;
	v10 =	vcvt.f32.s32 v10;
	v18 =	vadd.s32 v4, v7  }
0x4c: {  	p0 =	sgt.u32 s7, $0x4;
	v19 =	vld [tilespmem:s9+$0x10];
	vm15 =	vlt.s32 v9, $0xE;
	vm1 =	vlt.s32 v11, $0xE;
	v20 =	vadd.s32 v5, v7  }
.Ltmp0:
0x4d: {  	vm2 =	vlt.s32 v10, $0xE;
	v9 =	vnsel vm15, $0xE, v9;
	v7 =	vnsel vm1, $0xE, v11;
	v11 =	vld [tilespmem:s9+$0xFFFFFFE0];
	(pc) =	sbr.rel @!p0 .LBB2_2-.Ltmp0, $4  }
0x4e: {  	s8 =	simm.s32 $0x2A00;
	v17 =	vadd.s32 v1, v7;
	v16 =	vadd.s32 v4, v7;
	v14 =	vadd.s32 v5, v7;
	v7 =	vld [tilespmem:s9+$0xFFFFFFF0]  }
0x4f: {  	v21 =	vnsel vm2, $0xE, v10;
	v15 =	vadd.s32 v1, v9;
	v13 =	vadd.s32 v4, v9;
	[tilespmem:v12+s8+$0x0] =	vst.idx.add.f32.msk $0xffff, v0  }
0x50: {  	s11 =	simm.s32 $0x60;
	s31 =	sshll.u32 s3, $0x6;
	v10 =	vadd.s32 v4, v21;
	v12 =	vadd.s32 v5, v9;
	[tilespmem:v18+s8+$0x0] =	vst.idx.add.f32.msk $0xffff, v8  }
0x51: {  	s4 =	sadd.s32 $0x1AE00, s4;
	s5 =	sadd.s32 s31, s2;
	s10 =	simm.s32 $0x4;
	v9 =	vadd.s32 v1, v21;
	v8 =	vadd.s32 v5, v21;
	[tilespmem:v20+s8+$0x0] =	vst.idx.add.f32.msk $0xffff, v19  }
.LBB2_1:
0x52: {  	v18 =	vld [tilespmem:s11+$0x10]  }
0x53: {  	v19 =	vld [tilespmem:s11+$0xFFFFFFF0]  }
0x54: {  	s10 =	sadd.s32 $0x4, s10;
	v20 =	vld [tilespmem:s11+$0x0]  }
0x55: {  	p0 =	slt.u32 s10, s7;
	v21 =	vld [tilespmem:s11+$0xFFFFFFE0]  }
0x56: {  	v22 =	vld [tilespmem:s9+$0x0]  }
0x57: {  	v23 =	vmul.f32 $1.500000000e+01, v18;
	[tilespmem:v17+s8+$0x0] =	vst.idx.add.f32.msk $0xffff, v0  }
0x58: {  	v17 =	vmul.f32 $1.500000000e+01, v19;
	[tilespmem:v16+s8+$0x0] =	vst.idx.add.f32.msk $0xffff, v6  }
0x59: {  	v16 =	vmul.f32 $1.500000000e+01, v20;
	v23 =	vtrunc.f32 v23;
	[tilespmem:v14+s8+$0x0] =	vst.idx.add.f32.msk $0xffff, v11  }
0x5a: {  	v11 =	vmul.f32 $1.500000000e+01, v21;
	v14 =	vcvt.f32.s32 v23;
	[tilespmem:v15+s8+$0x0] =	vst.idx.add.f32.msk $0xffff, v0;
	v6 =	vmov v21  }
0x5b: {  	v15 =	vtrunc.f32 v17;
	v16 =	vtrunc.f32 v16;
	[tilespmem:v13+s8+$0x0] =	vst.idx.add.f32.msk $0xffff, v3;
	v3 =	vmov v19  }
0x5c: {  	v13 =	vcvt.f32.s32 v15;
	v11 =	vtrunc.f32 v11;
	vm0 =	vlt.s32 v14, $0xE;
	[tilespmem:v12+s8+$0x0] =	vst.idx.add.f32.msk $0xffff, v7  }
0x5d: {  	v12 =	vcvt.f32.s32 v16;
	v7 =	vcvt.f32.s32 v11;
	v11 =	vnsel vm0, $0xE, v14;
	[tilespmem:v9+s8+$0x0] =	vst.idx.add.f32.msk $0xffff, v0  }
0x5e: {  	vm0 =	vlt.s32 v13, $0xE;
	v19 =	vadd.s32 v1, v11;
	[tilespmem:v10+s8+$0x0] =	vst.idx.add.f32.msk $0xffff, v2;
	v2 =	vmov v20  }
0x5f: {  	s9 =	sadd.s32 $0x40, s9;
	vm2 =	vlt.s32 v12, $0xE;
	v20 =	vadd.s32 v4, v11;
	vm1 =	vlt.s32 v7, $0xE;
	[tilespmem:v8+s8+$0x0] =	vst.idx.add.f32.msk $0xffff, v22  }
0x60: {  	v8 =	vnsel vm0, $0xE, v13;
	v22 =	vadd.s32 v5, v11;
	v7 =	vnsel vm1, $0xE, v7;
	v21 =	vld [tilespmem:s9+$0x10]  }
.Ltmp1:
0x61: {  	v23 =	vnsel vm2, $0xE, v12;
	v11 =	vld [tilespmem:s9+$0xFFFFFFE0];
	v17 =	vadd.s32 v1, v7;
	v16 =	vadd.s32 v4, v7;
	(pc) =	sbr.rel @p0 .LBB2_1-.Ltmp1, $4  }
0x62: {  	v15 =	vadd.s32 v1, v8;
	v13 =	vadd.s32 v4, v8;
	v14 =	vadd.s32 v5, v7;
	v7 =	vld [tilespmem:s9+$0xFFFFFFF0]  }
0x63: {  	v12 =	vadd.s32 v5, v8;
	v9 =	vadd.s32 v1, v23;
	[tilespmem:v19+s8+$0x0] =	vst.idx.add.f32.msk $0xffff, v0  }
0x64: {  	v10 =	vadd.s32 v4, v23;
	v8 =	vadd.s32 v5, v23;
	[tilespmem:v20+s8+$0x0] =	vst.idx.add.f32.msk $0xffff, v18  }
0x65: {  	s11 =	sadd.s32 $0x40, s11;
	[tilespmem:v22+s8+$0x0] =	vst.idx.add.f32.msk $0xffff, v21  }
.LBB2_2:
0x66: {  	_ =	sdelay $0x2  }
0x67: {  	v1 =	vld [tilespmem:s9+$0x0]  }
0x68: {  	[tilespmem:v17+s8+$0x0] =	vst.idx.add.f32.msk $0xffff, v0  }
0x69: {  	[tilespmem:v15+s8+$0x0] =	vst.idx.add.f32.msk $0xffff, v0  }
0x6a: {  	[tilespmem:v9+s8+$0x0] =	vst.idx.add.f32.msk $0xffff, v0  }
0x6b: {  	p0 =	seq.s32 s7, s6;
	[tilespmem:v16+s8+$0x0] =	vst.idx.add.f32.msk $0xffff, v6  }
.Ltmp2:
0x6c: {  	[tilespmem:v13+s8+$0x0] =	vst.idx.add.f32.msk $0xffff, v3;
	(pc) =	sbr.rel @p0 .LBB2_5-.Ltmp2, $4  }
0x6d: {  	[tilespmem:v10+s8+$0x0] =	vst.idx.add.f32.msk $0xffff, v2  }
0x6e: {  	[tilespmem:v14+s8+$0x0] =	vst.idx.add.f32.msk $0xffff, v11  }
0x6f: {  	[tilespmem:v12+s8+$0x0] =	vst.idx.add.f32.msk $0xffff, v7  }
0x70: {  	[tilespmem:v8+s8+$0x0] =	vst.idx.add.f32.msk $0xffff, v1  }
0x71: {  	v0 =	vlaneseq.u32  }
0x72: {  	s8 =	sshll.u32 s6, $0x4;
	v0 =	vmul.u32 $0x10, v0  }
0x73: {  	s8 =	sand.u32 $0x1F00, s8  }
0x74: {  	v1 =	vimm.f32 $1.000000000e+00;
	s10 =	simm.s32 $0x2A00;
	s9 =	sadd.s32 $0x1500, s8;
	v2 =	vor.u32 $0x100, v0;
	v3 =	vor.u32 $0x200, v0  }
.LBB2_4:
0x75: {  	v4 =	vld [tilespmem:s8+$0x0];
	_ =	sdelay $0x4  }
0x76: {  	v5 =	vmul.f32 $1.500000000e+01, v4;
	_ =	sdelay $0x1  }
0x77: {  	v5 =	vtrunc.f32 v5  }
0x78: {  	v5 =	vcvt.f32.s32 v5;
	_ =	sdelay $0x1  }
0x79: {  	vm0 =	vlt.s32 v5, $0xE  }
0x7a: {  	v5 =	vnsel vm0, $0xE, v5  }
0x7b: {  	v6 =	vadd.s32 v0, v5  }
0x7c: {  	s7 =	sadd.s32 $0x1, s7;
	v7 =	vadd.s32 v2, v5  }
0x7d: {  	v8 =	vld [tilespmem:s9+$0x0];
	p0 =	slt.u32 s7, s6;
	v5 =	vadd.s32 v3, v5  }
.Ltmp3:
0x7e: {  	_ = 	snop;
	(pc) =	sbr.rel @p0 .LBB2_4-.Ltmp3, $4  }
0x7f: {  	_ = 	snop  }
0x80: {  	[tilespmem:v6+s10+$0x0] =	vst.idx.add.f32.msk $0xffff, v1  }
0x81: {  	[tilespmem:v7+s10+$0x0] =	vst.idx.add.f32.msk $0xffff, v4  }
0x82: {  	s8 =	sadd.s32 $0x10, s8;
	s9 =	sadd.s32 $0x10, s9;
	[tilespmem:v5+s10+$0x0] =	vst.idx.add.f32.msk $0xffff, v8  }
.LBB2_5:
0x83: {  	v0 =	vld [tilespmem:$0x2A00]  }
0x84: {  	v1 =	vld [tilespmem:$0x2A10]  }
0x85: {  	v2 =	vld [tilespmem:$0x2A20]  }
0x86: {  	v3 =	vld [tilespmem:$0x2A30]  }
0x87: {  	v4 =	vld [tilespmem:$0x2A40]  }
0x88: {  	v5 =	vld [tilespmem:$0x2A50]  }
0x89: {  	v6 =	vld [tilespmem:$0x2A60]  }
0x8a: {  	v7 =	vld [tilespmem:$0x2A70]  }
0x8b: {  	v8 =	vld [tilespmem:$0x2A80]  }
0x8c: {  	v9 =	vld [tilespmem:$0x2A90]  }
0x8d: {  	v10 =	vld [tilespmem:$0x2AA0]  }
0x8e: {  	v11 =	vld [tilespmem:$0x2AB0]  }
0x8f: {  	v12 =	vld [tilespmem:$0x2AC0]  }
0x90: {  	v13 =	vld [tilespmem:$0x2AD0]  }
0x91: {  	v14 =	vld [tilespmem:$0x2AE0]  }
0x92: {  	v15 =	vld [tilespmem:$0x2AF0]  }
0x93: {  	v16 =	vld [tilespmem:$0x2B00]  }
0x94: {  	v17 =	vld [tilespmem:$0x2B10]  }
0x95: {  	v18 =	vld [tilespmem:$0x2C00]  }
0x96: {  	v19 =	vld [tilespmem:$0x2C10]  }
0x97: {  	v20 =	vld [tilespmem:$0x2B20]  }
0x98: {  	v21 =	vld [tilespmem:$0x2C20]  }
0x99: {  	v35 =	vld [tilespmem:$0x2B30];
	v0 =	vadd.f32 v1, v0  }
0x9a: {  	v36 =	vld [tilespmem:$0x2C30];
	v16 =	vadd.f32 v17, v16  }
0x9b: {  	v38 =	vld [tilespmem:$0x2B40];
	v37 =	vadd.f32 v19, v18;
	v0 =	vadd.f32 v2, v0  }
0x9c: {  	v39 =	vld [tilespmem:$0x2C40];
	v16 =	vadd.f32 v20, v16  }
0x9d: {  	v40 =	vld [tilespmem:$0x2B50];
	v2 =	vadd.f32 v21, v37;
	v0 =	vadd.f32 v3, v0  }
0x9e: {  	v41 =	vld [tilespmem:$0x2C50];
	v1 =	vadd.f32 v35, v16  }
0x9f: {  	v42 =	vld [tilespmem:$0x2B60];
	v2 =	vadd.f32 v36, v2;
	v0 =	vadd.f32 v4, v0  }
0xa0: {  	v43 =	vld [tilespmem:$0x2C60];
	v1 =	vadd.f32 v38, v1  }
0xa1: {  	v44 =	vld [tilespmem:$0x2B70];
	v2 =	vadd.f32 v39, v2;
	v0 =	vadd.f32 v5, v0  }
0xa2: {  	v45 =	vld [tilespmem:$0x2C70];
	v1 =	vadd.f32 v40, v1  }
0xa3: {  	v46 =	vld [tilespmem:$0x2B80];
	v2 =	vadd.f32 v41, v2;
	v0 =	vadd.f32 v6, v0  }
0xa4: {  	v47 =	vld [tilespmem:$0x2C80];
	v1 =	vadd.f32 v42, v1  }
0xa5: {  	v48 =	vld [tilespmem:$0x2B90];
	v2 =	vadd.f32 v43, v2;
	v0 =	vadd.f32 v7, v0  }
0xa6: {  	v49 =	vld [tilespmem:$0x2C90];
	v1 =	vadd.f32 v44, v1  }
0xa7: {  	v50 =	vld [tilespmem:$0x2BA0];
	v2 =	vadd.f32 v45, v2;
	v0 =	vadd.f32 v8, v0  }
0xa8: {  	v51 =	vld [tilespmem:$0x2CA0];
	v1 =	vadd.f32 v46, v1  }
0xa9: {  	v52 =	vld [tilespmem:$0x2BB0];
	v2 =	vadd.f32 v47, v2;
	v0 =	vadd.f32 v9, v0  }
0xaa: {  	v53 =	vld [tilespmem:$0x2CB0];
	v1 =	vadd.f32 v48, v1  }
0xab: {  	v54 =	vld [tilespmem:$0x2BC0];
	v2 =	vadd.f32 v49, v2;
	v0 =	vadd.f32 v10, v0  }
0xac: {  	v55 =	vld [tilespmem:$0x2CC0];
	v1 =	vadd.f32 v50, v1  }
0xad: {  	v56 =	vld [tilespmem:$0x2BD0];
	v2 =	vadd.f32 v51, v2;
	v0 =	vadd.f32 v11, v0  }
0xae: {  	v57 =	vld [tilespmem:$0x2CD0];
	v1 =	vadd.f32 v52, v1  }
0xaf: {  	v58 =	vld [tilespmem:$0x2BE0];
	v2 =	vadd.f32 v53, v2;
	v0 =	vadd.f32 v12, v0  }
0xb0: {  	v59 =	vld [tilespmem:$0x2CE0];
	v1 =	vadd.f32 v54, v1  }
0xb1: {  	v60 =	vld [tilespmem:$0x2BF0];
	v2 =	vadd.f32 v55, v2;
	v0 =	vadd.f32 v13, v0  }
0xb2: {  	v61 =	vld [tilespmem:$0x2CF0];
	v1 =	vadd.f32 v56, v1  }
0xb3: {  	v2 =	vadd.f32 v57, v2;
	v0 =	vadd.f32 v14, v0  }
0xb4: {  	v1 =	vadd.f32 v58, v1  }
0xb5: {  	v63 =	vimm.f32 $0.0e+00;
	v2 =	vadd.f32 v59, v2;
	v0 =	vadd.f32 v15, v0  }
0xb6: {  	[tilespmem:$0x2D30] =	vst v63;
	v1 =	vadd.f32 v60, v1  }
0xb7: {  	v62 =	vadd.f32 v61, v2;
	[tilespmem:$0x2D00] =	vst v0  }
0xb8: {  	[tilespmem:$0x2D10] =	vst v1  }
0xb9: {  	s6 =	simm.s32 $0x2D00;
	[tilespmem:$0x2D20] =	vst v62  }
0xba: {  	[spmem:s5] =	stream.linear.scatter [tilespmem:s6], [sflag:$0x1], $0x40, $0x38;
	[tilespmem:$0x32C0] =	vst v63  }
0xbb: {  	s5 =	simm.s32 $0x1  }
0xbc: {  	_ =	swait.ge [sflag:s5], $0x40  }
0xbd: {  	[sflag:s5] =	ssyncset.done $0x0  }
0xbe: {  	[sflag:s5] =	ssyncadd.s32 $0xFFFFFFC0  }
0xbf: {  	p0 =	sne.s32 s3, $0x0;
	[bflag:$0x0] =	sbarrier.arrive $0xFFFF  }
0xc0: {  	_ =	sfence.sel @p0 $0x180000  }
0xc1: {  	[bflag:$0x0] =	sbarrier.arrive @p0 $0xFFFF  }
0xc2: {  	_ =	strace @p0 $0x9000004A  }
0xc3: {  	[bflag:$0x2] =	sbarrier.arrive @p0 $0xFFFF  }
0xc4: {  	_ =	shalt @p0  }
.LBB2_6:
0xc5: {  	s3 =	simm.s32 $0x2DC0  }
0xc6: {  	[tilespmem:s3], [sflag:$0x1] =	stream.linear.gather [spmem:s2], $0x400, $0x38;
	[tilespmem:$0x32C0] =	vst v63  }
0xc7: {  	_ =	swait.ge [sflag:s5], $0x400  }
0xc8: {  	[sflag:s5] =	ssyncset.done $0x0  }
0xc9: {  	s29 =	simm.s32 $0x0;
	s30 =	simm.s32 $0x31C0;
	[sflag:s5] =	ssyncadd.s32 $0xFFFFFC00  }
0xca: {  	[tilespmem:s30], [sflag:$0x1] =	stream.linear.gather [hbm4b:s4+s29], $0x80, $0x38;
	[tilespmem:$0x32C0] =	vst v63  }
0xcb: {  	_ =	swait.ge [sflag:s5], $0x80  }
0xcc: {  	[sflag:s5] =	ssyncset.done $0x0  }
0xcd: {  	[sflag:s5] =	ssyncadd.s32 $0xFFFFFF80  }
0xce: {  	v0 =	vld [tilespmem:$0x2DC0]  }
0xcf: {  	v1 =	vld [tilespmem:$0x2E00]  }
0xd0: {  	v2 =	vld [tilespmem:$0x2E40]  }
0xd1: {  	v3 =	vld [tilespmem:$0x2E80]  }
0xd2: {  	v4 =	vld [tilespmem:$0x2EC0]  }
0xd3: {  	v5 =	vld [tilespmem:$0x2F00]  }
0xd4: {  	v6 =	vld [tilespmem:$0x2F40]  }
0xd5: {  	v7 =	vld [tilespmem:$0x2F80]  }
0xd6: {  	v8 =	vld [tilespmem:$0x2FC0]  }
0xd7: {  	v9 =	vld [tilespmem:$0x3000]  }
0xd8: {  	v10 =	vld [tilespmem:$0x3040]  }
0xd9: {  	v11 =	vld [tilespmem:$0x3080]  }
0xda: {  	v12 =	vld [tilespmem:$0x30C0]  }
0xdb: {  	v13 =	vld [tilespmem:$0x3100]  }
0xdc: {  	v29 =	vld [tilespmem:$0x3140];
	v0 =	vadd.f32 v1, v0  }
0xdd: {  	v14 =	vld [tilespmem:$0x3180]  }
0xde: {  	v30 =	vld [tilespmem:$0x31C0];
	v0 =	vadd.f32 v2, v0  }
0xdf: {  	v15 =	vld [tilespmem:$0x2DD0]  }
0xe0: {  	v31 =	vld [tilespmem:$0x2E10];
	v0 =	vadd.f32 v3, v0  }
0xe1: {  	v16 =	vld [tilespmem:$0x2DE0]  }
0xe2: {  	v32 =	vld [tilespmem:$0x2E20];
	v0 =	vadd.f32 v4, v0  }
0xe3: {  	v17 =	vld [tilespmem:$0x2E50]  }
0xe4: {  	v33 =	vld [tilespmem:$0x2E60];
	v0 =	vadd.f32 v5, v0  }
0xe5: {  	v18 =	vld [tilespmem:$0x2E90]  }
0xe6: {  	v34 =	vld [tilespmem:$0x2EA0];
	v0 =	vadd.f32 v6, v0  }
0xe7: {  	v35 =	vld [tilespmem:$0x2ED0];
	v3 =	vadd.f32 v31, v15;
	v4 =	vadd.f32 v32, v16  }
0xe8: {  	v36 =	vld [tilespmem:$0x2EE0];
	v0 =	vadd.f32 v7, v0  }
0xe9: {  	v37 =	vld [tilespmem:$0x2F10];
	v3 =	vadd.f32 v17, v3;
	v4 =	vadd.f32 v33, v4  }
0xea: {  	v38 =	vld [tilespmem:$0x2F20];
	v0 =	vadd.f32 v8, v0  }
0xeb: {  	v39 =	vld [tilespmem:$0x2F50];
	v3 =	vadd.f32 v18, v3;
	v4 =	vadd.f32 v34, v4  }
0xec: {  	v40 =	vld [tilespmem:$0x2F60];
	v0 =	vadd.f32 v9, v0  }
0xed: {  	v41 =	vld [tilespmem:$0x2F90];
	v3 =	vadd.f32 v35, v3;
	v4 =	vadd.f32 v36, v4  }
0xee: {  	v42 =	vld [tilespmem:$0x2FA0];
	v0 =	vadd.f32 v10, v0  }
0xef: {  	v43 =	vld [tilespmem:$0x2FD0];
	v3 =	vadd.f32 v37, v3;
	v4 =	vadd.f32 v38, v4  }
0xf0: {  	v44 =	vld [tilespmem:$0x2FE0];
	v0 =	vadd.f32 v11, v0  }
0xf1: {  	v45 =	vld [tilespmem:$0x3010];
	v3 =	vadd.f32 v39, v3;
	v4 =	vadd.f32 v40, v4  }
0xf2: {  	v46 =	vld [tilespmem:$0x3020];
	v0 =	vadd.f32 v12, v0  }
0xf3: {  	v47 =	vld [tilespmem:$0x3050];
	v3 =	vadd.f32 v41, v3;
	v4 =	vadd.f32 v42, v4  }
0xf4: {  	v48 =	vld [tilespmem:$0x3060];
	v0 =	vadd.f32 v13, v0  }
0xf5: {  	v49 =	vld [tilespmem:$0x3090];
	v3 =	vadd.f32 v43, v3;
	v4 =	vadd.f32 v44, v4  }
0xf6: {  	v50 =	vld [tilespmem:$0x30A0];
	v0 =	vadd.f32 v29, v0  }
0xf7: {  	v51 =	vld [tilespmem:$0x30D0];
	v3 =	vadd.f32 v45, v3;
	v4 =	vadd.f32 v46, v4  }
0xf8: {  	v52 =	vld [tilespmem:$0x30E0];
	v0 =	vadd.f32 v14, v0  }
0xf9: {  	v53 =	vld [tilespmem:$0x3110];
	v3 =	vadd.f32 v47, v3;
	v4 =	vadd.f32 v48, v4  }
0xfa: {  	v54 =	vld [tilespmem:$0x3120];
	v0 =	vadd.f32 v30, v0  }
0xfb: {  	v55 =	vld [tilespmem:$0x3150];
	v3 =	vadd.f32 v49, v3;
	v1 =	vadd.f32 v50, v4  }
0xfc: {  	v56 =	vld [tilespmem:$0x3160];
	v57 =	vmax.f32 v0, $1.000000000e+00  }
0xfd: {  	v58 =	vld [tilespmem:$0x3190];
	v3 =	vadd.f32 v51, v3;
	v1 =	vadd.f32 v52, v1;
	(erf) = vrcp.f32 v57  }
0xfe: {  	v59 =	vld [tilespmem:$0x31A0]  }
0xff: {  	v60 =	vld [tilespmem:$0x31D0];
	v3 =	vadd.f32 v53, v3;
	v1 =	vadd.f32 v54, v1  }
0x100: {  	v61 =	vld [tilespmem:$0x31E0]  }
0x101: {  	v3 =	vadd.f32 v55, v3;
	v1 =	vadd.f32 v56, v1;
	_ =	sdelay $0x1  }
0x102: {  	v3 =	vadd.f32 v58, v3;
	v1 =	vadd.f32 v59, v1;
	_ =	sdelay $0x1  }
0x103: {  	v3 =	vadd.f32 v60, v3;
	v1 =	vadd.f32 v61, v1  }
0x104: {  	v62 =	vpop (erf)  }
0x105: {  	v3 =	vmul.f32 v3, v62;
	v1 =	vmul.f32 v1, v62;
	_ =	sdelay $0x1  }
0x106: {  	v1 =	vsub.f32 v3, v1  }
0x107: {  	v63 =	vmul.f32 $1.999999990e-06, v0  }
0x108: {  	v1 =	vand.u32 $0x7FFFFFFF, v1  }
0x109: {  	v1 =	vmul.f32 v1, v63  }
0x10a: {  	vm0 =	vgt.f32 v0, $0.0e+00  }
0x10b: {  	v0 =	vnsel vm0, $0x0, v1  }
0x10c: {  	(xrf2) =	vadd.scan.msk.f32 $0xffff, v0;
	_ =	sdelay $0x9  }
0x10d: {  	v0, _, _ =	vpop (xrf2)  }
0x10e: {  	v0 =	vbroadcast v0, $0xF  }
0x10f: {  	vm15 =	vmmov $0x1  }
0x110: {  	v0 =	vnsel vm15, $0x0, v0  }
0x111: {  	s31 =	simm.s32 $0x3240;
	[tilespmem:$0x3240] =	vst v0  }
0x112: {  	[hbm4b:s1+s29] =	stream.linear.scatter [tilespmem:s31], [sflag:$0x1], $0x80, $0x38;
	[tilespmem:$0x32C0] =	vst v63  }
0x113: {  	_ =	swait.ge [sflag:s5], $0x80  }
0x114: {  	[sflag:s5] =	ssyncset.done $0x0  }
0x115: {  	[sflag:s5] =	ssyncadd.s32 $0xFFFFFF80  }
0x116: {  	_ =	sfence.sel $0x180000  }
0x117: {  	[bflag:$0x0] =	sbarrier.arrive $0xFFFF  }
0x118: {  	_ =	strace $0x9000004A  }
0x119: {  	s0 =	sadd.s32 $0x100000, s0;
	[bflag:$0x2] =	sbarrier.arrive $0xFFFF  }
0x11a: {  	[sflag:s0] =	ssyncadd.tile.s32 $0x1;
	_ =	shalt  }
.Lfunc_end2:
_tile_overlayer_lowered:
.L_overlay_start_2:
0x11b: {  	(tag) =	ssettag $0x2  }
0x11c: {  	s0 =	rddreg [dreg:$0x0];
	s2 =	stileid.u32  }
0x11d: {  	s1 =	rddreg [dreg:$0x1];
	p0 =	sne.s32 s2, $0x0  }
0x11e: {  	s3 =	rddreg [dreg:$0x2];
	[bflag:$0x3] =	sbarrier.arrive $0xFFFF;
	s2 =	simm.s32 @!p0 $0x1C01  }
0x11f: {  	[timem:s3], [sflag:s2] =	dma.local @!p0 [hbm:s0], s1  }
0x120: {  	s0 =	simm.s32 @!p0 $0x1  }
0x121: {  	_ =	swait.ge @!p0 [sflag:s0], s1  }
0x122: {  	s1 =	ssub.s32 @!p0 $0x0, s1;
	[sflag:s0] =	ssyncset.done @!p0 $0x0  }
0x123: {  	[sflag:s0] =	ssyncadd.s32 @!p0 s1  }
0x124: {  	[bflag:$0x3] =	sbarrier.arrive $0xFFFF  }
0x125: {  	_ =	shalt  }

</sc_bundles>
